<compile_context>
chip_gen: v7x
topology: tpu7x:2x2x1
jax: 0.10.2.dev20260603
libtpu: 0.0.44.dev20260713+nightly
codegen_flags: <defaults>
</compile_context>

<pallas_src>
import functools

import jax
import jax.numpy as jnp
from jax import lax
from jax.experimental import pallas as pl
from jax.experimental.pallas import tpu as pltpu
from jax.experimental.pallas import tpu_sc as plsc

B = 4096
H = 50
D = 64
HP = 56
DP = 128
N = B * H
NC = 2
NS = 16
NW = NC * NS
BATCH_PW = B // NW
ROWS_PW = BATCH_PW * H
CHUNK_B = 8
CHUNK = CHUNK_B * H
NROUND = BATCH_PW // CHUNK_B


@jax.jit
def _sc_gather(x1, table):
    mesh = plsc.VectorSubcoreMesh(core_axis_name="c", subcore_axis_name="s")

    @functools.partial(
        pl.kernel,
        mesh=mesh,
        out_type=jax.ShapeDtypeStruct((B, HP, DP), jnp.float32),
        scratch_types=[
            pltpu.VMEM((ROWS_PW,), jnp.int32),
            pltpu.VMEM((2, CHUNK, D), jnp.float32),
            pltpu.SemaphoreType.DMA,
        ],
        compiler_params=pltpu.CompilerParams(use_tc_tiling_on_sc=False),
    )
    def k(x_hbm, table_hbm, out_hbm, idx_v, rows_v, gsem):
        wid = lax.axis_index("s") * NC + lax.axis_index("c")
        bbase = wid * BATCH_PW
        pltpu.sync_copy(x_hbm.at[pl.ds(wid * ROWS_PW, ROWS_PW)], idx_v)

        def fire(r, slot):
            pltpu.async_copy(
                table_hbm.at[idx_v.at[pl.ds(r * CHUNK, CHUNK)]],
                rows_v.at[slot],
                gsem,
            )

        def drain_and_store(r, slot):
            pltpu.make_async_copy(
                table_hbm.at[pl.ds(0, CHUNK)], rows_v.at[slot], gsem
            ).wait()
            for b in range(CHUNK_B):
                pltpu.sync_copy(
                    rows_v.at[slot, pl.ds(b * H, H)],
                    out_hbm.at[bbase + r * CHUNK_B + b, pl.ds(0, H), pl.ds(0, D)],
                )

        fire(0, 0)

        def body(r, carry):
            fire(r + 1, lax.rem(r + 1, 2))
            drain_and_store(r, lax.rem(r, 2))
            return carry

        lax.fori_loop(0, NROUND - 1, body, 0)
        drain_and_store(NROUND - 1, (NROUND - 1) % 2)

    return k(x1, table)


def kernel(x, table):
    out = _sc_gather(x.astype(jnp.int32).reshape(N), table)
    return out[:, :H, :D]

# --- scband reference (transcript-rebuilt; emitter-appended) ---
"""Pipeline reference for scband-coarse-grained-bead-embedding-22814866276365 (READ-ONLY COPY).

The authoritative reference and input builder live on the scoring server;
editing this copy changes nothing except your own understanding.
"""

import jax, jax.numpy as jnp
import numpy as np

NUM_BEADS = 100000
EMBED_DIM = 64
BATCH = 4096
HIST = 50

def setup_inputs(seed: int = 0) -> dict:
    key = jax.random.key(seed)
    k1, k2 = jax.random.split(key)
    x = jax.random.randint(k1, (BATCH, HIST), 0, NUM_BEADS, dtype=jnp.int64) if jax.config.jax_enable_x64 else jax.random.randint(k1, (BATCH, HIST), 0, NUM_BEADS, dtype=jnp.int32)
    table = jax.random.normal(k2, (NUM_BEADS, EMBED_DIM), dtype=jnp.float32)
    return {"x": x, "table": table}

def reference(x, table):
    # Faithful translation of nn.Embedding lookup: embedding(data.x)
    return jnp.take(table, x, axis=0)

if __name__ == "__main__":
    import jax
    _d = setup_inputs()
    print(jax.jit(kernel)(*tuple(_d.values())))

</pallas_src>

<mosaic_0001>
#map = affine_map<(d0, d1) -> (0)>
#map1 = affine_map<(d0, d1) -> (0, 0)>
#map2 = affine_map<(d0, d1) -> (0, 0, 0)>
module attributes {stable_mosaic.version = 14 : i64} {
  func.func @k(%arg0: i32, %arg1: i32, %arg2: memref<204800xi32, #tpu.memory_space<hbm>>, %arg3: memref<100000x64xf32, #tpu.memory_space<hbm>>, %arg4: memref<4096x56x128xf32, #tpu.memory_space<hbm>>, %arg5: memref<6400xi32, #tpu.memory_space<vmem>>, %arg6: memref<2x400x64xf32, #tpu.memory_space<vmem>>, %arg7: memref<!tpu.dma_semaphore, #tpu.memory_space<semaphore_mem>>) attributes {dimension_semantics = [#tpu.dimension_semantics<core_parallel>, #tpu.dimension_semantics<subcore_parallel>], iteration_bounds = array<i64: 2, 16>, scalar_prefetch = 0 : i64, scratch_operands = 3 : i64, tpu.core_type = #tpu.core_type<sc_vector_subcore>, window_params = [{transform_indices = #map}, {transform_indices = #map1}, {transform_indices = #map2}]} {
    %mul3A = arith.constant 2 : i32
    %mul3A_0 = arith.muli %arg1, %mul3A : i32
    %add3A = arith.addi %mul3A_0, %arg0 : i32
    %mul3A_1 = arith.constant 128 : i32
    %mul3A_2 = arith.muli %add3A, %mul3A_1 : i32
    %mul3A_3 = arith.constant 6400 : i32
    %mul3A_4 = arith.muli %add3A, %mul3A_3 : i32
    "tpu.region"() ({
      %run_scoped3A_72 = tpu.sem_alloc : memref<!tpu.dma_semaphore, #tpu.memory_space<semaphore_mem>>
      %dma_start3A_73 = tpu.memref_slice %arg2[%mul3A_4] : memref<204800xi32, #tpu.memory_space<hbm>> -> memref<6400xi32, #tpu.memory_space<hbm>>
      %dma_start3A_74 = tpu.memref_slice %arg2[%mul3A_4] : memref<204800xi32, #tpu.memory_space<hbm>> -> memref<6400xi32, #tpu.memory_space<hbm>>
      tpu.enqueue_dma source(%dma_start3A_74 : memref<6400xi32, #tpu.memory_space<hbm>>) target(%arg5 : memref<6400xi32, #tpu.memory_space<vmem>>) target_semaphore(%run_scoped3A_72 : memref<!tpu.dma_semaphore, #tpu.memory_space<semaphore_mem>>)
      %dma_wait3A_75 = tpu.memref_slice %arg2[%mul3A_4] : memref<204800xi32, #tpu.memory_space<hbm>> -> memref<6400xi32, #tpu.memory_space<hbm>>
      %dma_wait3A_76 = tpu.memref_slice %arg2[%mul3A_4] : memref<204800xi32, #tpu.memory_space<hbm>> -> memref<6400xi32, #tpu.memory_space<hbm>>
      tpu.wait_dma2 semaphore(%run_scoped3A_72 : memref<!tpu.dma_semaphore, #tpu.memory_space<semaphore_mem>>) src(%dma_wait3A_76 : memref<6400xi32, #tpu.memory_space<hbm>>) dst(%arg5 : memref<6400xi32, #tpu.memory_space<vmem>>)
      tpu.yield
    }) : () -> ()
    %dma_start3A = arith.constant 0 : i32
    %dma_start3A_5 = arith.constant 0 : i32
    %dma_start3A_6 = arith.constant 0 : i32
    %dma_start3A_7 = tpu.memref_slice %arg6[%dma_start3A, %dma_start3A_5, %dma_start3A_6] : memref<2x400x64xf32, #tpu.memory_space<vmem>> -> memref<1x400x64xf32, #tpu.memory_space<vmem>>
    %dma_start3A_8 = tpu.memref_squeeze %dma_start3A_7 : memref<1x400x64xf32, #tpu.memory_space<vmem>> -> memref<400x64xf32, #tpu.memory_space<vmem>>
    %dma_start3A_9 = arith.constant 0 : i32
    %dma_start3A_10 = tpu.memref_slice %arg5[%dma_start3A_9] : memref<6400xi32, #tpu.memory_space<vmem>> -> memref<400xi32, #tpu.memory_space<vmem>>
    %dma_start3A_11 = arith.constant 0 : i32
    %dma_start3A_12 = arith.constant 0 : i32
    %dma_start3A_13 = tpu.memref_slice %arg3[%dma_start3A_11, %dma_start3A_12] : memref<100000x64xf32, #tpu.memory_space<hbm>> -> memref<100000x64xf32, #tpu.memory_space<hbm>>
    tpu.enqueue_indirect_dma source(%dma_start3A_13 : memref<100000x64xf32, #tpu.memory_space<hbm>>) target(%dma_start3A_8 : memref<400x64xf32, #tpu.memory_space<vmem>>) offsets(%dma_start3A_10 : memref<400xi32, #tpu.memory_space<vmem>>) semaphore(%arg7 : memref<!tpu.dma_semaphore, #tpu.memory_space<semaphore_mem>>)
    %scan3A = arith.constant 0 : i32
    %scan3A_14 = arith.constant 0 : i32
    %scan3A_15 = arith.constant 15 : i32
    %scan3A_16 = arith.addi %scan3A_14, %scan3A_15 : i32
    %scan3A_17 = arith.constant 1 : i32
    scf.for %scan3A_72 = %scan3A_14 to %scan3A_16 step %scan3A_17  : i32 {
      %add3A_73 = arith.constant 1 : i32
      %add3A_74 = arith.addi %scan3A_72, %add3A_73 : i32
      %add3A_75 = arith.constant 1 : i32
      %add3A_76 = arith.addi %scan3A_72, %add3A_75 : i32
      %rem3A = arith.constant 2 : i32
      %rem3A_77 = arith.remsi %add3A_76, %rem3A : i32
      %mul3A_78 = arith.constant 400 : i32
      %mul3A_79 = arith.muli %add3A_74, %mul3A_78 : i32
      %dma_start3A_80 = arith.constant 0 : i32
      %dma_start3A_81 = arith.constant 0 : i32
      %dma_start3A_82 = tpu.memref_slice %arg6[%rem3A_77, %dma_start3A_80, %dma_start3A_81] : memref<2x400x64xf32, #tpu.memory_space<vmem>> -> memref<1x400x64xf32, #tpu.memory_space<vmem>>
      %dma_start3A_83 = tpu.memref_squeeze %dma_start3A_82 : memref<1x400x64xf32, #tpu.memory_space<vmem>> -> memref<400x64xf32, #tpu.memory_space<vmem>>
      %dma_start3A_84 = tpu.memref_slice %arg5[%mul3A_79] : memref<6400xi32, #tpu.memory_space<vmem>> -> memref<400xi32, #tpu.memory_space<vmem>>
      %dma_start3A_85 = arith.constant 0 : i32
      %dma_start3A_86 = arith.constant 0 : i32
      %dma_start3A_87 = tpu.memref_slice %arg3[%dma_start3A_85, %dma_start3A_86] : memref<100000x64xf32, #tpu.memory_space<hbm>> -> memref<100000x64xf32, #tpu.memory_space<hbm>>
      tpu.enqueue_indirect_dma source(%dma_start3A_87 : memref<100000x64xf32, #tpu.memory_space<hbm>>) target(%dma_start3A_83 : memref<400x64xf32, #tpu.memory_space<vmem>>) offsets(%dma_start3A_84 : memref<400xi32, #tpu.memory_space<vmem>>) semaphore(%arg7 : memref<!tpu.dma_semaphore, #tpu.memory_space<semaphore_mem>>)
      %rem3A_88 = arith.constant 2 : i32
      %rem3A_89 = arith.remsi %scan3A_72, %rem3A_88 : i32
      %dma_wait3A_90 = arith.constant 0 : i32
      %dma_wait3A_91 = arith.constant 0 : i32
      %dma_wait3A_92 = tpu.memref_slice %arg6[%rem3A_89, %dma_wait3A_90, %dma_wait3A_91] : memref<2x400x64xf32, #tpu.memory_space<vmem>> -> memref<1x400x64xf32, #tpu.memory_space<vmem>>
      %dma_wait3A_93 = tpu.memref_squeeze %dma_wait3A_92 : memref<1x400x64xf32, #tpu.memory_space<vmem>> -> memref<400x64xf32, #tpu.memory_space<vmem>>
      %dma_wait3A_94 = arith.constant 0 : i32
      %dma_wait3A_95 = arith.constant 0 : i32
      %dma_wait3A_96 = tpu.memref_slice %arg3[%dma_wait3A_94, %dma_wait3A_95] : memref<100000x64xf32, #tpu.memory_space<hbm>> -> memref<400x64xf32, #tpu.memory_space<hbm>>
      %dma_wait3A_97 = arith.constant 0 : i32
      %dma_wait3A_98 = arith.constant 0 : i32
      %dma_wait3A_99 = tpu.memref_slice %arg6[%rem3A_89, %dma_wait3A_97, %dma_wait3A_98] : memref<2x400x64xf32, #tpu.memory_space<vmem>> -> memref<1x400x64xf32, #tpu.memory_space<vmem>>
      %dma_wait3A_100 = tpu.memref_squeeze %dma_wait3A_99 : memref<1x400x64xf32, #tpu.memory_space<vmem>> -> memref<400x64xf32, #tpu.memory_space<vmem>>
      %dma_wait3A_101 = arith.constant 0 : i32
      %dma_wait3A_102 = arith.constant 0 : i32
      %dma_wait3A_103 = tpu.memref_slice %arg3[%dma_wait3A_101, %dma_wait3A_102] : memref<100000x64xf32, #tpu.memory_space<hbm>> -> memref<400x64xf32, #tpu.memory_space<hbm>>
      tpu.wait_dma2 semaphore(%arg7 : memref<!tpu.dma_semaphore, #tpu.memory_space<semaphore_mem>>) src(%dma_wait3A_103 : memref<400x64xf32, #tpu.memory_space<hbm>>) dst(%dma_wait3A_100 : memref<400x64xf32, #tpu.memory_space<vmem>>)
      %mul3A_104 = arith.constant 8 : i32
      %mul3A_105 = arith.muli %scan3A_72, %mul3A_104 : i32
      %add3A_106 = arith.addi %mul3A_2, %mul3A_105 : i32
      %add3A_107 = arith.constant 0 : i32
      %add3A_108 = arith.addi %add3A_106, %add3A_107 : i32
      "tpu.region"() ({
        %run_scoped3A_144 = tpu.sem_alloc : memref<!tpu.dma_semaphore, #tpu.memory_space<semaphore_mem>>
        %dma_start3A_145 = arith.constant 0 : i32
        %dma_start3A_146 = arith.constant 0 : i32
        %dma_start3A_147 = tpu.memref_slice %arg6[%rem3A_89, %dma_start3A_145, %dma_start3A_146] : memref<2x400x64xf32, #tpu.memory_space<vmem>> -> memref<1x50x64xf32, #tpu.memory_space<vmem>>
        %dma_start3A_148 = tpu.memref_squeeze %dma_start3A_147 : memref<1x50x64xf32, #tpu.memory_space<vmem>> -> memref<50x64xf32, #tpu.memory_space<vmem>>
        %dma_start3A_149 = arith.constant 0 : i32
        %dma_start3A_150 = arith.constant 0 : i32
        %dma_start3A_151 = tpu.memref_slice %arg4[%add3A_108, %dma_start3A_149, %dma_start3A_150] : memref<4096x56x128xf32, #tpu.memory_space<hbm>> -> memref<1x50x64xf32, #tpu.memory_space<hbm>>
        %dma_start3A_152 = tpu.memref_squeeze %dma_start3A_151 : memref<1x50x64xf32, #tpu.memory_space<hbm>> -> memref<50x64xf32, #tpu.memory_space<hbm>>
        %dma_start3A_153 = arith.constant 0 : i32
        %dma_start3A_154 = arith.constant 0 : i32
        %dma_start3A_155 = tpu.memref_slice %arg4[%add3A_108, %dma_start3A_153, %dma_start3A_154] : memref<4096x56x128xf32, #tpu.memory_space<hbm>> -> memref<1x50x64xf32, #tpu.memory_space<hbm>>
        %dma_start3A_156 = tpu.memref_squeeze %dma_start3A_155 : memref<1x50x64xf32, #tpu.memory_space<hbm>> -> memref<50x64xf32, #tpu.memory_space<hbm>>
        %dma_start3A_157 = arith.constant 0 : i32
        %dma_start3A_158 = arith.constant 0 : i32
        %dma_start3A_159 = tpu.memref_slice %arg6[%rem3A_89, %dma_start3A_157, %dma_start3A_158] : memref<2x400x64xf32, #tpu.memory_space<vmem>> -> memref<1x50x64xf32, #tpu.memory_space<vmem>>
        %dma_start3A_160 = tpu.memref_squeeze %dma_start3A_159 : memref<1x50x64xf32, #tpu.memory_space<vmem>> -> memref<50x64xf32, #tpu.memory_space<vmem>>
        tpu.enqueue_dma source(%dma_start3A_160 : memref<50x64xf32, #tpu.memory_space<vmem>>) target(%dma_start3A_156 : memref<50x64xf32, #tpu.memory_space<hbm>>) target_semaphore(%run_scoped3A_144 : memref<!tpu.dma_semaphore, #tpu.memory_space<semaphore_mem>>)
        %dma_wait3A_161 = arith.constant 0 : i32
        %dma_wait3A_162 = arith.constant 0 : i32
        %dma_wait3A_163 = tpu.memref_slice %arg6[%rem3A_89, %dma_wait3A_161, %dma_wait3A_162] : memref<2x400x64xf32, #tpu.memory_space<vmem>> -> memref<1x50x64xf32, #tpu.memory_space<vmem>>
        %dma_wait3A_164 = tpu.memref_squeeze %dma_wait3A_163 : memref<1x50x64xf32, #tpu.memory_space<vmem>> -> memref<50x64xf32, #tpu.memory_space<vmem>>
        %dma_wait3A_165 = arith.constant 0 : i32
        %dma_wait3A_166 = arith.constant 0 : i32
        %dma_wait3A_167 = tpu.memref_slice %arg4[%add3A_108, %dma_wait3A_165, %dma_wait3A_166] : memref<4096x56x128xf32, #tpu.memory_space<hbm>> -> memref<1x50x64xf32, #tpu.memory_space<hbm>>
        %dma_wait3A_168 = tpu.memref_squeeze %dma_wait3A_167 : memref<1x50x64xf32, #tpu.memory_space<hbm>> -> memref<50x64xf32, #tpu.memory_space<hbm>>
        %dma_wait3A_169 = arith.constant 0 : i32
        %dma_wait3A_170 = arith.constant 0 : i32
        %dma_wait3A_171 = tpu.memref_slice %arg4[%add3A_108, %dma_wait3A_169, %dma_wait3A_170] : memref<4096x56x128xf32, #tpu.memory_space<hbm>> -> memref<1x50x64xf32, #tpu.memory_space<hbm>>
        %dma_wait3A_172 = tpu.memref_squeeze %dma_wait3A_171 : memref<1x50x64xf32, #tpu.memory_space<hbm>> -> memref<50x64xf32, #tpu.memory_space<hbm>>
        %dma_wait3A_173 = arith.constant 0 : i32
        %dma_wait3A_174 = arith.constant 0 : i32
        %dma_wait3A_175 = tpu.memref_slice %arg6[%rem3A_89, %dma_wait3A_173, %dma_wait3A_174] : memref<2x400x64xf32, #tpu.memory_space<vmem>> -> memref<1x50x64xf32, #tpu.memory_space<vmem>>
        %dma_wait3A_176 = tpu.memref_squeeze %dma_wait3A_175 : memref<1x50x64xf32, #tpu.memory_space<vmem>> -> memref<50x64xf32, #tpu.memory_space<vmem>>
        tpu.wait_dma2 semaphore(%run_scoped3A_144 : memref<!tpu.dma_semaphore, #tpu.memory_space<semaphore_mem>>) src(%dma_wait3A_176 : memref<50x64xf32, #tpu.memory_space<vmem>>) dst(%dma_wait3A_172 : memref<50x64xf32, #tpu.memory_space<hbm>>)
        tpu.yield
      }) : () -> ()
      %mul3A_109 = arith.constant 8 : i32
      %mul3A_110 = arith.muli %scan3A_72, %mul3A_109 : i32
      %add3A_111 = arith.addi %mul3A_2, %mul3A_110 : i32
      %add3A_112 = arith.constant 1 : i32
      %add3A_113 = arith.addi %add3A_111, %add3A_112 : i32
      "tpu.region"() ({
        %run_scoped3A_144 = tpu.sem_alloc : memref<!tpu.dma_semaphore, #tpu.memory_space<semaphore_mem>>
        %dma_start3A_145 = arith.constant 50 : i32
        %dma_start3A_146 = arith.constant 0 : i32
        %dma_start3A_147 = tpu.memref_slice %arg6[%rem3A_89, %dma_start3A_145, %dma_start3A_146] : memref<2x400x64xf32, #tpu.memory_space<vmem>> -> memref<1x50x64xf32, #tpu.memory_space<vmem>>
        %dma_start3A_148 = tpu.memref_squeeze %dma_start3A_147 : memref<1x50x64xf32, #tpu.memory_space<vmem>> -> memref<50x64xf32, #tpu.memory_space<vmem>>
        %dma_start3A_149 = arith.constant 0 : i32
        %dma_start3A_150 = arith.constant 0 : i32
        %dma_start3A_151 = tpu.memref_slice %arg4[%add3A_113, %dma_start3A_149, %dma_start3A_150] : memref<4096x56x128xf32, #tpu.memory_space<hbm>> -> memref<1x50x64xf32, #tpu.memory_space<hbm>>
        %dma_start3A_152 = tpu.memref_squeeze %dma_start3A_151 : memref<1x50x64xf32, #tpu.memory_space<hbm>> -> memref<50x64xf32, #tpu.memory_space<hbm>>
        %dma_start3A_153 = arith.constant 0 : i32
        %dma_start3A_154 = arith.constant 0 : i32
        %dma_start3A_155 = tpu.memref_slice %arg4[%add3A_113, %dma_start3A_153, %dma_start3A_154] : memref<4096x56x128xf32, #tpu.memory_space<hbm>> -> memref<1x50x64xf32, #tpu.memory_space<hbm>>
        %dma_start3A_156 = tpu.memref_squeeze %dma_start3A_155 : memref<1x50x64xf32, #tpu.memory_space<hbm>> -> memref<50x64xf32, #tpu.memory_space<hbm>>
        %dma_start3A_157 = arith.constant 50 : i32
        %dma_start3A_158 = arith.constant 0 : i32
        %dma_start3A_159 = tpu.memref_slice %arg6[%rem3A_89, %dma_start3A_157, %dma_start3A_158] : memref<2x400x64xf32, #tpu.memory_space<vmem>> -> memref<1x50x64xf32, #tpu.memory_space<vmem>>
        %dma_start3A_160 = tpu.memref_squeeze %dma_start3A_159 : memref<1x50x64xf32, #tpu.memory_space<vmem>> -> memref<50x64xf32, #tpu.memory_space<vmem>>
        tpu.enqueue_dma source(%dma_start3A_160 : memref<50x64xf32, #tpu.memory_space<vmem>>) target(%dma_start3A_156 : memref<50x64xf32, #tpu.memory_space<hbm>>) target_semaphore(%run_scoped3A_144 : memref<!tpu.dma_semaphore, #tpu.memory_space<semaphore_mem>>)
        %dma_wait3A_161 = arith.constant 50 : i32
        %dma_wait3A_162 = arith.constant 0 : i32
        %dma_wait3A_163 = tpu.memref_slice %arg6[%rem3A_89, %dma_wait3A_161, %dma_wait3A_162] : memref<2x400x64xf32, #tpu.memory_space<vmem>> -> memref<1x50x64xf32, #tpu.memory_space<vmem>>
        %dma_wait3A_164 = tpu.memref_squeeze %dma_wait3A_163 : memref<1x50x64xf32, #tpu.memory_space<vmem>> -> memref<50x64xf32, #tpu.memory_space<vmem>>
        %dma_wait3A_165 = arith.constant 0 : i32
        %dma_wait3A_166 = arith.constant 0 : i32
        %dma_wait3A_167 = tpu.memref_slice %arg4[%add3A_113, %dma_wait3A_165, %dma_wait3A_166] : memref<4096x56x128xf32, #tpu.memory_space<hbm>> -> memref<1x50x64xf32, #tpu.memory_space<hbm>>
        %dma_wait3A_168 = tpu.memref_squeeze %dma_wait3A_167 : memref<1x50x64xf32, #tpu.memory_space<hbm>> -> memref<50x64xf32, #tpu.memory_space<hbm>>
        %dma_wait3A_169 = arith.constant 0 : i32
        %dma_wait3A_170 = arith.constant 0 : i32
        %dma_wait3A_171 = tpu.memref_slice %arg4[%add3A_113, %dma_wait3A_169, %dma_wait3A_170] : memref<4096x56x128xf32, #tpu.memory_space<hbm>> -> memref<1x50x64xf32, #tpu.memory_space<hbm>>
        %dma_wait3A_172 = tpu.memref_squeeze %dma_wait3A_171 : memref<1x50x64xf32, #tpu.memory_space<hbm>> -> memref<50x64xf32, #tpu.memory_space<hbm>>
        %dma_wait3A_173 = arith.constant 50 : i32
        %dma_wait3A_174 = arith.constant 0 : i32
        %dma_wait3A_175 = tpu.memref_slice %arg6[%rem3A_89, %dma_wait3A_173, %dma_wait3A_174] : memref<2x400x64xf32, #tpu.memory_space<vmem>> -> memref<1x50x64xf32, #tpu.memory_space<vmem>>
        %dma_wait3A_176 = tpu.memref_squeeze %dma_wait3A_175 : memref<1x50x64xf32, #tpu.memory_space<vmem>> -> memref<50x64xf32, #tpu.memory_space<vmem>>
        tpu.wait_dma2 semaphore(%run_scoped3A_144 : memref<!tpu.dma_semaphore, #tpu.memory_space<semaphore_mem>>) src(%dma_wait3A_176 : memref<50x64xf32, #tpu.memory_space<vmem>>) dst(%dma_wait3A_172 : memref<50x64xf32, #tpu.memory_space<hbm>>)
        tpu.yield
      }) : () -> ()
      %mul3A_114 = arith.constant 8 : i32
      %mul3A_115 = arith.muli %scan3A_72, %mul3A_114 : i32
      %add3A_116 = arith.addi %mul3A_2, %mul3A_115 : i32
      %add3A_117 = arith.constant 2 : i32
      %add3A_118 = arith.addi %add3A_116, %add3A_117 : i32
      "tpu.region"() ({
        %run_scoped3A_144 = tpu.sem_alloc : memref<!tpu.dma_semaphore, #tpu.memory_space<semaphore_mem>>
        %dma_start3A_145 = arith.constant 100 : i32
        %dma_start3A_146 = arith.constant 0 : i32
        %dma_start3A_147 = tpu.memref_slice %arg6[%rem3A_89, %dma_start3A_145, %dma_start3A_146] : memref<2x400x64xf32, #tpu.memory_space<vmem>> -> memref<1x50x64xf32, #tpu.memory_space<vmem>>
        %dma_start3A_148 = tpu.memref_squeeze %dma_start3A_147 : memref<1x50x64xf32, #tpu.memory_space<vmem>> -> memref<50x64xf32, #tpu.memory_space<vmem>>
        %dma_start3A_149 = arith.constant 0 : i32
        %dma_start3A_150 = arith.constant 0 : i32
        %dma_start3A_151 = tpu.memref_slice %arg4[%add3A_118, %dma_start3A_149, %dma_start3A_150] : memref<4096x56x128xf32, #tpu.memory_space<hbm>> -> memref<1x50x64xf32, #tpu.memory_space<hbm>>
        %dma_start3A_152 = tpu.memref_squeeze %dma_start3A_151 : memref<1x50x64xf32, #tpu.memory_space<hbm>> -> memref<50x64xf32, #tpu.memory_space<hbm>>
        %dma_start3A_153 = arith.constant 0 : i32
        %dma_start3A_154 = arith.constant 0 : i32
        %dma_start3A_155 = tpu.memref_slice %arg4[%add3A_118, %dma_start3A_153, %dma_start3A_154] : memref<4096x56x128xf32, #tpu.memory_space<hbm>> -> memref<1x50x64xf32, #tpu.memory_space<hbm>>
        %dma_start3A_156 = tpu.memref_squeeze %dma_start3A_155 : memref<1x50x64xf32, #tpu.memory_space<hbm>> -> memref<50x64xf32, #tpu.memory_space<hbm>>
        %dma_start3A_157 = arith.constant 100 : i32
        %dma_start3A_158 = arith.constant 0 : i32
        %dma_start3A_159 = tpu.memref_slice %arg6[%rem3A_89, %dma_start3A_157, %dma_start3A_158] : memref<2x400x64xf32, #tpu.memory_space<vmem>> -> memref<1x50x64xf32, #tpu.memory_space<vmem>>
        %dma_start3A_160 = tpu.memref_squeeze %dma_start3A_159 : memref<1x50x64xf32, #tpu.memory_space<vmem>> -> memref<50x64xf32, #tpu.memory_space<vmem>>
        tpu.enqueue_dma source(%dma_start3A_160 : memref<50x64xf32, #tpu.memory_space<vmem>>) target(%dma_start3A_156 : memref<50x64xf32, #tpu.memory_space<hbm>>) target_semaphore(%run_scoped3A_144 : memref<!tpu.dma_semaphore, #tpu.memory_space<semaphore_mem>>)
        %dma_wait3A_161 = arith.constant 100 : i32
        %dma_wait3A_162 = arith.constant 0 : i32
        %dma_wait3A_163 = tpu.memref_slice %arg6[%rem3A_89, %dma_wait3A_161, %dma_wait3A_162] : memref<2x400x64xf32, #tpu.memory_space<vmem>> -> memref<1x50x64xf32, #tpu.memory_space<vmem>>
        %dma_wait3A_164 = tpu.memref_squeeze %dma_wait3A_163 : memref<1x50x64xf32, #tpu.memory_space<vmem>> -> memref<50x64xf32, #tpu.memory_space<vmem>>
        %dma_wait3A_165 = arith.constant 0 : i32
        %dma_wait3A_166 = arith.constant 0 : i32
        %dma_wait3A_167 = tpu.memref_slice %arg4[%add3A_118, %dma_wait3A_165, %dma_wait3A_166] : memref<4096x56x128xf32, #tpu.memory_space<hbm>> -> memref<1x50x64xf32, #tpu.memory_space<hbm>>
        %dma_wait3A_168 = tpu.memref_squeeze %dma_wait3A_167 : memref<1x50x64xf32, #tpu.memory_space<hbm>> -> memref<50x64xf32, #tpu.memory_space<hbm>>
        %dma_wait3A_169 = arith.constant 0 : i32
        %dma_wait3A_170 = arith.constant 0 : i32
        %dma_wait3A_171 = tpu.memref_slice %arg4[%add3A_118, %dma_wait3A_169, %dma_wait3A_170] : memref<4096x56x128xf32, #tpu.memory_space<hbm>> -> memref<1x50x64xf32, #tpu.memory_space<hbm>>
        %dma_wait3A_172 = tpu.memref_squeeze %dma_wait3A_171 : memref<1x50x64xf32, #tpu.memory_space<hbm>> -> memref<50x64xf32, #tpu.memory_space<hbm>>
        %dma_wait3A_173 = arith.constant 100 : i32
        %dma_wait3A_174 = arith.constant 0 : i32
        %dma_wait3A_175 = tpu.memref_slice %arg6[%rem3A_89, %dma_wait3A_173, %dma_wait3A_174] : memref<2x400x64xf32, #tpu.memory_space<vmem>> -> memref<1x50x64xf32, #tpu.memory_space<vmem>>
        %dma_wait3A_176 = tpu.memref_squeeze %dma_wait3A_175 : memref<1x50x64xf32, #tpu.memory_space<vmem>> -> memref<50x64xf32, #tpu.memory_space<vmem>>
        tpu.wait_dma2 semaphore(%run_scoped3A_144 : memref<!tpu.dma_semaphore, #tpu.memory_space<semaphore_mem>>) src(%dma_wait3A_176 : memref<50x64xf32, #tpu.memory_space<vmem>>) dst(%dma_wait3A_172 : memref<50x64xf32, #tpu.memory_space<hbm>>)
        tpu.yield
      }) : () -> ()
      %mul3A_119 = arith.constant 8 : i32
      %mul3A_120 = arith.muli %scan3A_72, %mul3A_119 : i32
      %add3A_121 = arith.addi %mul3A_2, %mul3A_120 : i32
      %add3A_122 = arith.constant 3 : i32
      %add3A_123 = arith.addi %add3A_121, %add3A_122 : i32
      "tpu.region"() ({
        %run_scoped3A_144 = tpu.sem_alloc : memref<!tpu.dma_semaphore, #tpu.memory_space<semaphore_mem>>
        %dma_start3A_145 = arith.constant 150 : i32
        %dma_start3A_146 = arith.constant 0 : i32
        %dma_start3A_147 = tpu.memref_slice %arg6[%rem3A_89, %dma_start3A_145, %dma_start3A_146] : memref<2x400x64xf32, #tpu.memory_space<vmem>> -> memref<1x50x64xf32, #tpu.memory_space<vmem>>
        %dma_start3A_148 = tpu.memref_squeeze %dma_start3A_147 : memref<1x50x64xf32, #tpu.memory_space<vmem>> -> memref<50x64xf32, #tpu.memory_space<vmem>>
        %dma_start3A_149 = arith.constant 0 : i32
        %dma_start3A_150 = arith.constant 0 : i32
        %dma_start3A_151 = tpu.memref_slice %arg4[%add3A_123, %dma_start3A_149, %dma_start3A_150] : memref<4096x56x128xf32, #tpu.memory_space<hbm>> -> memref<1x50x64xf32, #tpu.memory_space<hbm>>
        %dma_start3A_152 = tpu.memref_squeeze %dma_start3A_151 : memref<1x50x64xf32, #tpu.memory_space<hbm>> -> memref<50x64xf32, #tpu.memory_space<hbm>>
        %dma_start3A_153 = arith.constant 0 : i32
        %dma_start3A_154 = arith.constant 0 : i32
        %dma_start3A_155 = tpu.memref_slice %arg4[%add3A_123, %dma_start3A_153, %dma_start3A_154] : memref<4096x56x128xf32, #tpu.memory_space<hbm>> -> memref<1x50x64xf32, #tpu.memory_space<hbm>>
        %dma_start3A_156 = tpu.memref_squeeze %dma_start3A_155 : memref<1x50x64xf32, #tpu.memory_space<hbm>> -> memref<50x64xf32, #tpu.memory_space<hbm>>
        %dma_start3A_157 = arith.constant 150 : i32
        %dma_start3A_158 = arith.constant 0 : i32
        %dma_start3A_159 = tpu.memref_slice %arg6[%rem3A_89, %dma_start3A_157, %dma_start3A_158] : memref<2x400x64xf32, #tpu.memory_space<vmem>> -> memref<1x50x64xf32, #tpu.memory_space<vmem>>
        %dma_start3A_160 = tpu.memref_squeeze %dma_start3A_159 : memref<1x50x64xf32, #tpu.memory_space<vmem>> -> memref<50x64xf32, #tpu.memory_space<vmem>>
        tpu.enqueue_dma source(%dma_start3A_160 : memref<50x64xf32, #tpu.memory_space<vmem>>) target(%dma_start3A_156 : memref<50x64xf32, #tpu.memory_space<hbm>>) target_semaphore(%run_scoped3A_144 : memref<!tpu.dma_semaphore, #tpu.memory_space<semaphore_mem>>)
        %dma_wait3A_161 = arith.constant 150 : i32
        %dma_wait3A_162 = arith.constant 0 : i32
        %dma_wait3A_163 = tpu.memref_slice %arg6[%rem3A_89, %dma_wait3A_161, %dma_wait3A_162] : memref<2x400x64xf32, #tpu.memory_space<vmem>> -> memref<1x50x64xf32, #tpu.memory_space<vmem>>
        %dma_wait3A_164 = tpu.memref_squeeze %dma_wait3A_163 : memref<1x50x64xf32, #tpu.memory_space<vmem>> -> memref<50x64xf32, #tpu.memory_space<vmem>>
        %dma_wait3A_165 = arith.constant 0 : i32
        %dma_wait3A_166 = arith.constant 0 : i32
        %dma_wait3A_167 = tpu.memref_slice %arg4[%add3A_123, %dma_wait3A_165, %dma_wait3A_166] : memref<4096x56x128xf32, #tpu.memory_space<hbm>> -> memref<1x50x64xf32, #tpu.memory_space<hbm>>
        %dma_wait3A_168 = tpu.memref_squeeze %dma_wait3A_167 : memref<1x50x64xf32, #tpu.memory_space<hbm>> -> memref<50x64xf32, #tpu.memory_space<hbm>>
        %dma_wait3A_169 = arith.constant 0 : i32
        %dma_wait3A_170 = arith.constant 0 : i32
        %dma_wait3A_171 = tpu.memref_slice %arg4[%add3A_123, %dma_wait3A_169, %dma_wait3A_170] : memref<4096x56x128xf32, #tpu.memory_space<hbm>> -> memref<1x50x64xf32, #tpu.memory_space<hbm>>
        %dma_wait3A_172 = tpu.memref_squeeze %dma_wait3A_171 : memref<1x50x64xf32, #tpu.memory_space<hbm>> -> memref<50x64xf32, #tpu.memory_space<hbm>>
        %dma_wait3A_173 = arith.constant 150 : i32
        %dma_wait3A_174 = arith.constant 0 : i32
        %dma_wait3A_175 = tpu.memref_slice %arg6[%rem3A_89, %dma_wait3A_173, %dma_wait3A_174] : memref<2x400x64xf32, #tpu.memory_space<vmem>> -> memref<1x50x64xf32, #tpu.memory_space<vmem>>
        %dma_wait3A_176 = tpu.memref_squeeze %dma_wait3A_175 : memref<1x50x64xf32, #tpu.memory_space<vmem>> -> memref<50x64xf32, #tpu.memory_space<vmem>>
        tpu.wait_dma2 semaphore(%run_scoped3A_144 : memref<!tpu.dma_semaphore, #tpu.memory_space<semaphore_mem>>) src(%dma_wait3A_176 : memref<50x64xf32, #tpu.memory_space<vmem>>) dst(%dma_wait3A_172 : memref<50x64xf32, #tpu.memory_space<hbm>>)
        tpu.yield
      }) : () -> ()
      %mul3A_124 = arith.constant 8 : i32
      %mul3A_125 = arith.muli %scan3A_72, %mul3A_124 : i32
      %add3A_126 = arith.addi %mul3A_2, %mul3A_125 : i32
      %add3A_127 = arith.constant 4 : i32
      %add3A_128 = arith.addi %add3A_126, %add3A_127 : i32
      "tpu.region"() ({
        %run_scoped3A_144 = tpu.sem_alloc : memref<!tpu.dma_semaphore, #tpu.memory_space<semaphore_mem>>
        %dma_start3A_145 = arith.constant 200 : i32
        %dma_start3A_146 = arith.constant 0 : i32
        %dma_start3A_147 = tpu.memref_slice %arg6[%rem3A_89, %dma_start3A_145, %dma_start3A_146] : memref<2x400x64xf32, #tpu.memory_space<vmem>> -> memref<1x50x64xf32, #tpu.memory_space<vmem>>
        %dma_start3A_148 = tpu.memref_squeeze %dma_start3A_147 : memref<1x50x64xf32, #tpu.memory_space<vmem>> -> memref<50x64xf32, #tpu.memory_space<vmem>>
        %dma_start3A_149 = arith.constant 0 : i32
        %dma_start3A_150 = arith.constant 0 : i32
        %dma_start3A_151 = tpu.memref_slice %arg4[%add3A_128, %dma_start3A_149, %dma_start3A_150] : memref<4096x56x128xf32, #tpu.memory_space<hbm>> -> memref<1x50x64xf32, #tpu.memory_space<hbm>>
        %dma_start3A_152 = tpu.memref_squeeze %dma_start3A_151 : memref<1x50x64xf32, #tpu.memory_space<hbm>> -> memref<50x64xf32, #tpu.memory_space<hbm>>
        %dma_start3A_153 = arith.constant 0 : i32
        %dma_start3A_154 = arith.constant 0 : i32
        %dma_start3A_155 = tpu.memref_slice %arg4[%add3A_128, %dma_start3A_153, %dma_start3A_154] : memref<4096x56x128xf32, #tpu.memory_space<hbm>> -> memref<1x50x64xf32, #tpu.memory_space<hbm>>
        %dma_start3A_156 = tpu.memref_squeeze %dma_start3A_155 : memref<1x50x64xf32, #tpu.memory_space<hbm>> -> memref<50x64xf32, #tpu.memory_space<hbm>>
        %dma_start3A_157 = arith.constant 200 : i32
        %dma_start3A_158 = arith.constant 0 : i32
        %dma_start3A_159 = tpu.memref_slice %arg6[%rem3A_89, %dma_start3A_157, %dma_start3A_158] : memref<2x400x64xf32, #tpu.memory_space<vmem>> -> memref<1x50x64xf32, #tpu.memory_space<vmem>>
        %dma_start3A_160 = tpu.memref_squeeze %dma_start3A_159 : memref<1x50x64xf32, #tpu.memory_space<vmem>> -> memref<50x64xf32, #tpu.memory_space<vmem>>
        tpu.enqueue_dma source(%dma_start3A_160 : memref<50x64xf32, #tpu.memory_space<vmem>>) target(%dma_start3A_156 : memref<50x64xf32, #tpu.memory_space<hbm>>) target_semaphore(%run_scoped3A_144 : memref<!tpu.dma_semaphore, #tpu.memory_space<semaphore_mem>>)
        %dma_wait3A_161 = arith.constant 200 : i32
        %dma_wait3A_162 = arith.constant 0 : i32
        %dma_wait3A_163 = tpu.memref_slice %arg6[%rem3A_89, %dma_wait3A_161, %dma_wait3A_162] : memref<2x400x64xf32, #tpu.memory_space<vmem>> -> memref<1x50x64xf32, #tpu.memory_space<vmem>>
        %dma_wait3A_164 = tpu.memref_squeeze %dma_wait3A_163 : memref<1x50x64xf32, #tpu.memory_space<vmem>> -> memref<50x64xf32, #tpu.memory_space<vmem>>
        %dma_wait3A_165 = arith.constant 0 : i32
        %dma_wait3A_166 = arith.constant 0 : i32
        %dma_wait3A_167 = tpu.memref_slice %arg4[%add3A_128, %dma_wait3A_165, %dma_wait3A_166] : memref<4096x56x128xf32, #tpu.memory_space<hbm>> -> memref<1x50x64xf32, #tpu.memory_space<hbm>>
        %dma_wait3A_168 = tpu.memref_squeeze %dma_wait3A_167 : memref<1x50x64xf32, #tpu.memory_space<hbm>> -> memref<50x64xf32, #tpu.memory_space<hbm>>
        %dma_wait3A_169 = arith.constant 0 : i32
        %dma_wait3A_170 = arith.constant 0 : i32
        %dma_wait3A_171 = tpu.memref_slice %arg4[%add3A_128, %dma_wait3A_169, %dma_wait3A_170] : memref<4096x56x128xf32, #tpu.memory_space<hbm>> -> memref<1x50x64xf32, #tpu.memory_space<hbm>>
        %dma_wait3A_172 = tpu.memref_squeeze %dma_wait3A_171 : memref<1x50x64xf32, #tpu.memory_space<hbm>> -> memref<50x64xf32, #tpu.memory_space<hbm>>
        %dma_wait3A_173 = arith.constant 200 : i32
        %dma_wait3A_174 = arith.constant 0 : i32
        %dma_wait3A_175 = tpu.memref_slice %arg6[%rem3A_89, %dma_wait3A_173, %dma_wait3A_174] : memref<2x400x64xf32, #tpu.memory_space<vmem>> -> memref<1x50x64xf32, #tpu.memory_space<vmem>>
        %dma_wait3A_176 = tpu.memref_squeeze %dma_wait3A_175 : memref<1x50x64xf32, #tpu.memory_space<vmem>> -> memref<50x64xf32, #tpu.memory_space<vmem>>
        tpu.wait_dma2 semaphore(%run_scoped3A_144 : memref<!tpu.dma_semaphore, #tpu.memory_space<semaphore_mem>>) src(%dma_wait3A_176 : memref<50x64xf32, #tpu.memory_space<vmem>>) dst(%dma_wait3A_172 : memref<50x64xf32, #tpu.memory_space<hbm>>)
        tpu.yield
      }) : () -> ()
      %mul3A_129 = arith.constant 8 : i32
      %mul3A_130 = arith.muli %scan3A_72, %mul3A_129 : i32
      %add3A_131 = arith.addi %mul3A_2, %mul3A_130 : i32
      %add3A_132 = arith.constant 5 : i32
      %add3A_133 = arith.addi %add3A_131, %add3A_132 : i32
      "tpu.region"() ({
        %run_scoped3A_144 = tpu.sem_alloc : memref<!tpu.dma_semaphore, #tpu.memory_space<semaphore_mem>>
        %dma_start3A_145 = arith.constant 250 : i32
        %dma_start3A_146 = arith.constant 0 : i32
        %dma_start3A_147 = tpu.memref_slice %arg6[%rem3A_89, %dma_start3A_145, %dma_start3A_146] : memref<2x400x64xf32, #tpu.memory_space<vmem>> -> memref<1x50x64xf32, #tpu.memory_space<vmem>>
        %dma_start3A_148 = tpu.memref_squeeze %dma_start3A_147 : memref<1x50x64xf32, #tpu.memory_space<vmem>> -> memref<50x64xf32, #tpu.memory_space<vmem>>
        %dma_start3A_149 = arith.constant 0 : i32
        %dma_start3A_150 = arith.constant 0 : i32
        %dma_start3A_151 = tpu.memref_slice %arg4[%add3A_133, %dma_start3A_149, %dma_start3A_150] : memref<4096x56x128xf32, #tpu.memory_space<hbm>> -> memref<1x50x64xf32, #tpu.memory_space<hbm>>
        %dma_start3A_152 = tpu.memref_squeeze %dma_start3A_151 : memref<1x50x64xf32, #tpu.memory_space<hbm>> -> memref<50x64xf32, #tpu.memory_space<hbm>>
        %dma_start3A_153 = arith.constant 0 : i32
        %dma_start3A_154 = arith.constant 0 : i32
        %dma_start3A_155 = tpu.memref_slice %arg4[%add3A_133, %dma_start3A_153, %dma_start3A_154] : memref<4096x56x128xf32, #tpu.memory_space<hbm>> -> memref<1x50x64xf32, #tpu.memory_space<hbm>>
        %dma_start3A_156 = tpu.memref_squeeze %dma_start3A_155 : memref<1x50x64xf32, #tpu.memory_space<hbm>> -> memref<50x64xf32, #tpu.memory_space<hbm>>
        %dma_start3A_157 = arith.constant 250 : i32
        %dma_start3A_158 = arith.constant 0 : i32
        %dma_start3A_159 = tpu.memref_slice %arg6[%rem3A_89, %dma_start3A_157, %dma_start3A_158] : memref<2x400x64xf32, #tpu.memory_space<vmem>> -> memref<1x50x64xf32, #tpu.memory_space<vmem>>
        %dma_start3A_160 = tpu.memref_squeeze %dma_start3A_159 : memref<1x50x64xf32, #tpu.memory_space<vmem>> -> memref<50x64xf32, #tpu.memory_space<vmem>>
        tpu.enqueue_dma source(%dma_start3A_160 : memref<50x64xf32, #tpu.memory_space<vmem>>) target(%dma_start3A_156 : memref<50x64xf32, #tpu.memory_space<hbm>>) target_semaphore(%run_scoped3A_144 : memref<!tpu.dma_semaphore, #tpu.memory_space<semaphore_mem>>)
        %dma_wait3A_161 = arith.constant 250 : i32
        %dma_wait3A_162 = arith.constant 0 : i32
        %dma_wait3A_163 = tpu.memref_slice %arg6[%rem3A_89, %dma_wait3A_161, %dma_wait3A_162] : memref<2x400x64xf32, #tpu.memory_space<vmem>> -> memref<1x50x64xf32, #tpu.memory_space<vmem>>
        %dma_wait3A_164 = tpu.memref_squeeze %dma_wait3A_163 : memref<1x50x64xf32, #tpu.memory_space<vmem>> -> memref<50x64xf32, #tpu.memory_space<vmem>>
        %dma_wait3A_165 = arith.constant 0 : i32
        %dma_wait3A_166 = arith.constant 0 : i32
        %dma_wait3A_167 = tpu.memref_slice %arg4[%add3A_133, %dma_wait3A_165, %dma_wait3A_166] : memref<4096x56x128xf32, #tpu.memory_space<hbm>> -> memref<1x50x64xf32, #tpu.memory_space<hbm>>
        %dma_wait3A_168 = tpu.memref_squeeze %dma_wait3A_167 : memref<1x50x64xf32, #tpu.memory_space<hbm>> -> memref<50x64xf32, #tpu.memory_space<hbm>>
        %dma_wait3A_169 = arith.constant 0 : i32
        %dma_wait3A_170 = arith.constant 0 : i32
        %dma_wait3A_171 = tpu.memref_slice %arg4[%add3A_133, %dma_wait3A_169, %dma_wait3A_170] : memref<4096x56x128xf32, #tpu.memory_space<hbm>> -> memref<1x50x64xf32, #tpu.memory_space<hbm>>
        %dma_wait3A_172 = tpu.memref_squeeze %dma_wait3A_171 : memref<1x50x64xf32, #tpu.memory_space<hbm>> -> memref<50x64xf32, #tpu.memory_space<hbm>>
        %dma_wait3A_173 = arith.constant 250 : i32
        %dma_wait3A_174 = arith.constant 0 : i32
        %dma_wait3A_175 = tpu.memref_slice %arg6[%rem3A_89, %dma_wait3A_173, %dma_wait3A_174] : memref<2x400x64xf32, #tpu.memory_space<vmem>> -> memref<1x50x64xf32, #tpu.memory_space<vmem>>
        %dma_wait3A_176 = tpu.memref_squeeze %dma_wait3A_175 : memref<1x50x64xf32, #tpu.memory_space<vmem>> -> memref<50x64xf32, #tpu.memory_space<vmem>>
        tpu.wait_dma2 semaphore(%run_scoped3A_144 : memref<!tpu.dma_semaphore, #tpu.memory_space<semaphore_mem>>) src(%dma_wait3A_176 : memref<50x64xf32, #tpu.memory_space<vmem>>) dst(%dma_wait3A_172 : memref<50x64xf32, #tpu.memory_space<hbm>>)
        tpu.yield
      }) : () -> ()
      %mul3A_134 = arith.constant 8 : i32
      %mul3A_135 = arith.muli %scan3A_72, %mul3A_134 : i32
      %add3A_136 = arith.addi %mul3A_2, %mul3A_135 : i32
      %add3A_137 = arith.constant 6 : i32
      %add3A_138 = arith.addi %add3A_136, %add3A_137 : i32
      "tpu.region"() ({
        %run_scoped3A_144 = tpu.sem_alloc : memref<!tpu.dma_semaphore, #tpu.memory_space<semaphore_mem>>
        %dma_start3A_145 = arith.constant 300 : i32
        %dma_start3A_146 = arith.constant 0 : i32
        %dma_start3A_147 = tpu.memref_slice %arg6[%rem3A_89, %dma_start3A_145, %dma_start3A_146] : memref<2x400x64xf32, #tpu.memory_space<vmem>> -> memref<1x50x64xf32, #tpu.memory_space<vmem>>
        %dma_start3A_148 = tpu.memref_squeeze %dma_start3A_147 : memref<1x50x64xf32, #tpu.memory_space<vmem>> -> memref<50x64xf32, #tpu.memory_space<vmem>>
        %dma_start3A_149 = arith.constant 0 : i32
        %dma_start3A_150 = arith.constant 0 : i32
        %dma_start3A_151 = tpu.memref_slice %arg4[%add3A_138, %dma_start3A_149, %dma_start3A_150] : memref<4096x56x128xf32, #tpu.memory_space<hbm>> -> memref<1x50x64xf32, #tpu.memory_space<hbm>>
        %dma_start3A_152 = tpu.memref_squeeze %dma_start3A_151 : memref<1x50x64xf32, #tpu.memory_space<hbm>> -> memref<50x64xf32, #tpu.memory_space<hbm>>
        %dma_start3A_153 = arith.constant 0 : i32
        %dma_start3A_154 = arith.constant 0 : i32
        %dma_start3A_155 = tpu.memref_slice %arg4[%add3A_138, %dma_start3A_153, %dma_start3A_154] : memref<4096x56x128xf32, #tpu.memory_space<hbm>> -> memref<1x50x64xf32, #tpu.memory_space<hbm>>
        %dma_start3A_156 = tpu.memref_squeeze %dma_start3A_155 : memref<1x50x64xf32, #tpu.memory_space<hbm>> -> memref<50x64xf32, #tpu.memory_space<hbm>>
        %dma_start3A_157 = arith.constant 300 : i32
        %dma_start3A_158 = arith.constant 0 : i32
        %dma_start3A_159 = tpu.memref_slice %arg6[%rem3A_89, %dma_start3A_157, %dma_start3A_158] : memref<2x400x64xf32, #tpu.memory_space<vmem>> -> memref<1x50x64xf32, #tpu.memory_space<vmem>>
        %dma_start3A_160 = tpu.memref_squeeze %dma_start3A_159 : memref<1x50x64xf32, #tpu.memory_space<vmem>> -> memref<50x64xf32, #tpu.memory_space<vmem>>
        tpu.enqueue_dma source(%dma_start3A_160 : memref<50x64xf32, #tpu.memory_space<vmem>>) target(%dma_start3A_156 : memref<50x64xf32, #tpu.memory_space<hbm>>) target_semaphore(%run_scoped3A_144 : memref<!tpu.dma_semaphore, #tpu.memory_space<semaphore_mem>>)
        %dma_wait3A_161 = arith.constant 300 : i32
        %dma_wait3A_162 = arith.constant 0 : i32
        %dma_wait3A_163 = tpu.memref_slice %arg6[%rem3A_89, %dma_wait3A_161, %dma_wait3A_162] : memref<2x400x64xf32, #tpu.memory_space<vmem>> -> memref<1x50x64xf32, #tpu.memory_space<vmem>>
        %dma_wait3A_164 = tpu.memref_squeeze %dma_wait3A_163 : memref<1x50x64xf32, #tpu.memory_space<vmem>> -> memref<50x64xf32, #tpu.memory_space<vmem>>
        %dma_wait3A_165 = arith.constant 0 : i32
        %dma_wait3A_166 = arith.constant 0 : i32
        %dma_wait3A_167 = tpu.memref_slice %arg4[%add3A_138, %dma_wait3A_165, %dma_wait3A_166] : memref<4096x56x128xf32, #tpu.memory_space<hbm>> -> memref<1x50x64xf32, #tpu.memory_space<hbm>>
        %dma_wait3A_168 = tpu.memref_squeeze %dma_wait3A_167 : memref<1x50x64xf32, #tpu.memory_space<hbm>> -> memref<50x64xf32, #tpu.memory_space<hbm>>
        %dma_wait3A_169 = arith.constant 0 : i32
        %dma_wait3A_170 = arith.constant 0 : i32
        %dma_wait3A_171 = tpu.memref_slice %arg4[%add3A_138, %dma_wait3A_169, %dma_wait3A_170] : memref<4096x56x128xf32, #tpu.memory_space<hbm>> -> memref<1x50x64xf32, #tpu.memory_space<hbm>>
        %dma_wait3A_172 = tpu.memref_squeeze %dma_wait3A_171 : memref<1x50x64xf32, #tpu.memory_space<hbm>> -> memref<50x64xf32, #tpu.memory_space<hbm>>
        %dma_wait3A_173 = arith.constant 300 : i32
        %dma_wait3A_174 = arith.constant 0 : i32
        %dma_wait3A_175 = tpu.memref_slice %arg6[%rem3A_89, %dma_wait3A_173, %dma_wait3A_174] : memref<2x400x64xf32, #tpu.memory_space<vmem>> -> memref<1x50x64xf32, #tpu.memory_space<vmem>>
        %dma_wait3A_176 = tpu.memref_squeeze %dma_wait3A_175 : memref<1x50x64xf32, #tpu.memory_space<vmem>> -> memref<50x64xf32, #tpu.memory_space<vmem>>
        tpu.wait_dma2 semaphore(%run_scoped3A_144 : memref<!tpu.dma_semaphore, #tpu.memory_space<semaphore_mem>>) src(%dma_wait3A_176 : memref<50x64xf32, #tpu.memory_space<vmem>>) dst(%dma_wait3A_172 : memref<50x64xf32, #tpu.memory_space<hbm>>)
        tpu.yield
      }) : () -> ()
      %mul3A_139 = arith.constant 8 : i32
      %mul3A_140 = arith.muli %scan3A_72, %mul3A_139 : i32
      %add3A_141 = arith.addi %mul3A_2, %mul3A_140 : i32
      %add3A_142 = arith.constant 7 : i32
      %add3A_143 = arith.addi %add3A_141, %add3A_142 : i32
      "tpu.region"() ({
        %run_scoped3A_144 = tpu.sem_alloc : memref<!tpu.dma_semaphore, #tpu.memory_space<semaphore_mem>>
        %dma_start3A_145 = arith.constant 350 : i32
        %dma_start3A_146 = arith.constant 0 : i32
        %dma_start3A_147 = tpu.memref_slice %arg6[%rem3A_89, %dma_start3A_145, %dma_start3A_146] : memref<2x400x64xf32, #tpu.memory_space<vmem>> -> memref<1x50x64xf32, #tpu.memory_space<vmem>>
        %dma_start3A_148 = tpu.memref_squeeze %dma_start3A_147 : memref<1x50x64xf32, #tpu.memory_space<vmem>> -> memref<50x64xf32, #tpu.memory_space<vmem>>
        %dma_start3A_149 = arith.constant 0 : i32
        %dma_start3A_150 = arith.constant 0 : i32
        %dma_start3A_151 = tpu.memref_slice %arg4[%add3A_143, %dma_start3A_149, %dma_start3A_150] : memref<4096x56x128xf32, #tpu.memory_space<hbm>> -> memref<1x50x64xf32, #tpu.memory_space<hbm>>
        %dma_start3A_152 = tpu.memref_squeeze %dma_start3A_151 : memref<1x50x64xf32, #tpu.memory_space<hbm>> -> memref<50x64xf32, #tpu.memory_space<hbm>>
        %dma_start3A_153 = arith.constant 0 : i32
        %dma_start3A_154 = arith.constant 0 : i32
        %dma_start3A_155 = tpu.memref_slice %arg4[%add3A_143, %dma_start3A_153, %dma_start3A_154] : memref<4096x56x128xf32, #tpu.memory_space<hbm>> -> memref<1x50x64xf32, #tpu.memory_space<hbm>>
        %dma_start3A_156 = tpu.memref_squeeze %dma_start3A_155 : memref<1x50x64xf32, #tpu.memory_space<hbm>> -> memref<50x64xf32, #tpu.memory_space<hbm>>
        %dma_start3A_157 = arith.constant 350 : i32
        %dma_start3A_158 = arith.constant 0 : i32
        %dma_start3A_159 = tpu.memref_slice %arg6[%rem3A_89, %dma_start3A_157, %dma_start3A_158] : memref<2x400x64xf32, #tpu.memory_space<vmem>> -> memref<1x50x64xf32, #tpu.memory_space<vmem>>
        %dma_start3A_160 = tpu.memref_squeeze %dma_start3A_159 : memref<1x50x64xf32, #tpu.memory_space<vmem>> -> memref<50x64xf32, #tpu.memory_space<vmem>>
        tpu.enqueue_dma source(%dma_start3A_160 : memref<50x64xf32, #tpu.memory_space<vmem>>) target(%dma_start3A_156 : memref<50x64xf32, #tpu.memory_space<hbm>>) target_semaphore(%run_scoped3A_144 : memref<!tpu.dma_semaphore, #tpu.memory_space<semaphore_mem>>)
        %dma_wait3A_161 = arith.constant 350 : i32
        %dma_wait3A_162 = arith.constant 0 : i32
        %dma_wait3A_163 = tpu.memref_slice %arg6[%rem3A_89, %dma_wait3A_161, %dma_wait3A_162] : memref<2x400x64xf32, #tpu.memory_space<vmem>> -> memref<1x50x64xf32, #tpu.memory_space<vmem>>
        %dma_wait3A_164 = tpu.memref_squeeze %dma_wait3A_163 : memref<1x50x64xf32, #tpu.memory_space<vmem>> -> memref<50x64xf32, #tpu.memory_space<vmem>>
        %dma_wait3A_165 = arith.constant 0 : i32
        %dma_wait3A_166 = arith.constant 0 : i32
        %dma_wait3A_167 = tpu.memref_slice %arg4[%add3A_143, %dma_wait3A_165, %dma_wait3A_166] : memref<4096x56x128xf32, #tpu.memory_space<hbm>> -> memref<1x50x64xf32, #tpu.memory_space<hbm>>
        %dma_wait3A_168 = tpu.memref_squeeze %dma_wait3A_167 : memref<1x50x64xf32, #tpu.memory_space<hbm>> -> memref<50x64xf32, #tpu.memory_space<hbm>>
        %dma_wait3A_169 = arith.constant 0 : i32
        %dma_wait3A_170 = arith.constant 0 : i32
        %dma_wait3A_171 = tpu.memref_slice %arg4[%add3A_143, %dma_wait3A_169, %dma_wait3A_170] : memref<4096x56x128xf32, #tpu.memory_space<hbm>> -> memref<1x50x64xf32, #tpu.memory_space<hbm>>
        %dma_wait3A_172 = tpu.memref_squeeze %dma_wait3A_171 : memref<1x50x64xf32, #tpu.memory_space<hbm>> -> memref<50x64xf32, #tpu.memory_space<hbm>>
        %dma_wait3A_173 = arith.constant 350 : i32
        %dma_wait3A_174 = arith.constant 0 : i32
        %dma_wait3A_175 = tpu.memref_slice %arg6[%rem3A_89, %dma_wait3A_173, %dma_wait3A_174] : memref<2x400x64xf32, #tpu.memory_space<vmem>> -> memref<1x50x64xf32, #tpu.memory_space<vmem>>
        %dma_wait3A_176 = tpu.memref_squeeze %dma_wait3A_175 : memref<1x50x64xf32, #tpu.memory_space<vmem>> -> memref<50x64xf32, #tpu.memory_space<vmem>>
        tpu.wait_dma2 semaphore(%run_scoped3A_144 : memref<!tpu.dma_semaphore, #tpu.memory_space<semaphore_mem>>) src(%dma_wait3A_176 : memref<50x64xf32, #tpu.memory_space<vmem>>) dst(%dma_wait3A_172 : memref<50x64xf32, #tpu.memory_space<hbm>>)
        tpu.yield
      }) : () -> ()
    }
    %scan3A_18 = arith.constant 15 : i32
    %dma_wait3A = arith.constant 1 : i32
    %dma_wait3A_19 = arith.constant 0 : i32
    %dma_wait3A_20 = arith.constant 0 : i32
    %dma_wait3A_21 = tpu.memref_slice %arg6[%dma_wait3A, %dma_wait3A_19, %dma_wait3A_20] : memref<2x400x64xf32, #tpu.memory_space<vmem>> -> memref<1x400x64xf32, #tpu.memory_space<vmem>>
    %dma_wait3A_22 = tpu.memref_squeeze %dma_wait3A_21 : memref<1x400x64xf32, #tpu.memory_space<vmem>> -> memref<400x64xf32, #tpu.memory_space<vmem>>
    %dma_wait3A_23 = arith.constant 0 : i32
    %dma_wait3A_24 = arith.constant 0 : i32
    %dma_wait3A_25 = tpu.memref_slice %arg3[%dma_wait3A_23, %dma_wait3A_24] : memref<100000x64xf32, #tpu.memory_space<hbm>> -> memref<400x64xf32, #tpu.memory_space<hbm>>
    %dma_wait3A_26 = arith.constant 0 : i32
    %dma_wait3A_27 = arith.constant 0 : i32
    %dma_wait3A_28 = tpu.memref_slice %arg6[%dma_wait3A, %dma_wait3A_26, %dma_wait3A_27] : memref<2x400x64xf32, #tpu.memory_space<vmem>> -> memref<1x400x64xf32, #tpu.memory_space<vmem>>
    %dma_wait3A_29 = tpu.memref_squeeze %dma_wait3A_28 : memref<1x400x64xf32, #tpu.memory_space<vmem>> -> memref<400x64xf32, #tpu.memory_space<vmem>>
    %dma_wait3A_30 = arith.constant 0 : i32
    %dma_wait3A_31 = arith.constant 0 : i32
    %dma_wait3A_32 = tpu.memref_slice %arg3[%dma_wait3A_30, %dma_wait3A_31] : memref<100000x64xf32, #tpu.memory_space<hbm>> -> memref<400x64xf32, #tpu.memory_space<hbm>>
    tpu.wait_dma2 semaphore(%arg7 : memref<!tpu.dma_semaphore, #tpu.memory_space<semaphore_mem>>) src(%dma_wait3A_32 : memref<400x64xf32, #tpu.memory_space<hbm>>) dst(%dma_wait3A_29 : memref<400x64xf32, #tpu.memory_space<vmem>>)
    %add3A_33 = arith.constant 120 : i32
    %add3A_34 = arith.addi %mul3A_2, %add3A_33 : i32
    %add3A_35 = arith.constant 0 : i32
    %add3A_36 = arith.addi %add3A_34, %add3A_35 : i32
    %run_scoped3A = arith.constant 1 : i32
    "tpu.region"() ({
      %run_scoped3A_72 = tpu.sem_alloc : memref<!tpu.dma_semaphore, #tpu.memory_space<semaphore_mem>>
      %dma_start3A_73 = arith.constant 0 : i32
      %dma_start3A_74 = arith.constant 0 : i32
      %dma_start3A_75 = tpu.memref_slice %arg6[%run_scoped3A, %dma_start3A_73, %dma_start3A_74] : memref<2x400x64xf32, #tpu.memory_space<vmem>> -> memref<1x50x64xf32, #tpu.memory_space<vmem>>
      %dma_start3A_76 = tpu.memref_squeeze %dma_start3A_75 : memref<1x50x64xf32, #tpu.memory_space<vmem>> -> memref<50x64xf32, #tpu.memory_space<vmem>>
      %dma_start3A_77 = arith.constant 0 : i32
      %dma_start3A_78 = arith.constant 0 : i32
      %dma_start3A_79 = tpu.memref_slice %arg4[%add3A_36, %dma_start3A_77, %dma_start3A_78] : memref<4096x56x128xf32, #tpu.memory_space<hbm>> -> memref<1x50x64xf32, #tpu.memory_space<hbm>>
      %dma_start3A_80 = tpu.memref_squeeze %dma_start3A_79 : memref<1x50x64xf32, #tpu.memory_space<hbm>> -> memref<50x64xf32, #tpu.memory_space<hbm>>
      %dma_start3A_81 = arith.constant 0 : i32
      %dma_start3A_82 = arith.constant 0 : i32
      %dma_start3A_83 = tpu.memref_slice %arg4[%add3A_36, %dma_start3A_81, %dma_start3A_82] : memref<4096x56x128xf32, #tpu.memory_space<hbm>> -> memref<1x50x64xf32, #tpu.memory_space<hbm>>
      %dma_start3A_84 = tpu.memref_squeeze %dma_start3A_83 : memref<1x50x64xf32, #tpu.memory_space<hbm>> -> memref<50x64xf32, #tpu.memory_space<hbm>>
      %dma_start3A_85 = arith.constant 0 : i32
      %dma_start3A_86 = arith.constant 0 : i32
      %dma_start3A_87 = tpu.memref_slice %arg6[%run_scoped3A, %dma_start3A_85, %dma_start3A_86] : memref<2x400x64xf32, #tpu.memory_space<vmem>> -> memref<1x50x64xf32, #tpu.memory_space<vmem>>
      %dma_start3A_88 = tpu.memref_squeeze %dma_start3A_87 : memref<1x50x64xf32, #tpu.memory_space<vmem>> -> memref<50x64xf32, #tpu.memory_space<vmem>>
      tpu.enqueue_dma source(%dma_start3A_88 : memref<50x64xf32, #tpu.memory_space<vmem>>) target(%dma_start3A_84 : memref<50x64xf32, #tpu.memory_space<hbm>>) target_semaphore(%run_scoped3A_72 : memref<!tpu.dma_semaphore, #tpu.memory_space<semaphore_mem>>)
      %dma_wait3A_89 = arith.constant 0 : i32
      %dma_wait3A_90 = arith.constant 0 : i32
      %dma_wait3A_91 = tpu.memref_slice %arg6[%run_scoped3A, %dma_wait3A_89, %dma_wait3A_90] : memref<2x400x64xf32, #tpu.memory_space<vmem>> -> memref<1x50x64xf32, #tpu.memory_space<vmem>>
      %dma_wait3A_92 = tpu.memref_squeeze %dma_wait3A_91 : memref<1x50x64xf32, #tpu.memory_space<vmem>> -> memref<50x64xf32, #tpu.memory_space<vmem>>
      %dma_wait3A_93 = arith.constant 0 : i32
      %dma_wait3A_94 = arith.constant 0 : i32
      %dma_wait3A_95 = tpu.memref_slice %arg4[%add3A_36, %dma_wait3A_93, %dma_wait3A_94] : memref<4096x56x128xf32, #tpu.memory_space<hbm>> -> memref<1x50x64xf32, #tpu.memory_space<hbm>>
      %dma_wait3A_96 = tpu.memref_squeeze %dma_wait3A_95 : memref<1x50x64xf32, #tpu.memory_space<hbm>> -> memref<50x64xf32, #tpu.memory_space<hbm>>
      %dma_wait3A_97 = arith.constant 0 : i32
      %dma_wait3A_98 = arith.constant 0 : i32
      %dma_wait3A_99 = tpu.memref_slice %arg4[%add3A_36, %dma_wait3A_97, %dma_wait3A_98] : memref<4096x56x128xf32, #tpu.memory_space<hbm>> -> memref<1x50x64xf32, #tpu.memory_space<hbm>>
      %dma_wait3A_100 = tpu.memref_squeeze %dma_wait3A_99 : memref<1x50x64xf32, #tpu.memory_space<hbm>> -> memref<50x64xf32, #tpu.memory_space<hbm>>
      %dma_wait3A_101 = arith.constant 0 : i32
      %dma_wait3A_102 = arith.constant 0 : i32
      %dma_wait3A_103 = tpu.memref_slice %arg6[%run_scoped3A, %dma_wait3A_101, %dma_wait3A_102] : memref<2x400x64xf32, #tpu.memory_space<vmem>> -> memref<1x50x64xf32, #tpu.memory_space<vmem>>
      %dma_wait3A_104 = tpu.memref_squeeze %dma_wait3A_103 : memref<1x50x64xf32, #tpu.memory_space<vmem>> -> memref<50x64xf32, #tpu.memory_space<vmem>>
      tpu.wait_dma2 semaphore(%run_scoped3A_72 : memref<!tpu.dma_semaphore, #tpu.memory_space<semaphore_mem>>) src(%dma_wait3A_104 : memref<50x64xf32, #tpu.memory_space<vmem>>) dst(%dma_wait3A_100 : memref<50x64xf32, #tpu.memory_space<hbm>>)
      tpu.yield
    }) : () -> ()
    %add3A_37 = arith.constant 120 : i32
    %add3A_38 = arith.addi %mul3A_2, %add3A_37 : i32
    %add3A_39 = arith.constant 1 : i32
    %add3A_40 = arith.addi %add3A_38, %add3A_39 : i32
    %run_scoped3A_41 = arith.constant 1 : i32
    "tpu.region"() ({
      %run_scoped3A_72 = tpu.sem_alloc : memref<!tpu.dma_semaphore, #tpu.memory_space<semaphore_mem>>
      %dma_start3A_73 = arith.constant 50 : i32
      %dma_start3A_74 = arith.constant 0 : i32
      %dma_start3A_75 = tpu.memref_slice %arg6[%run_scoped3A_41, %dma_start3A_73, %dma_start3A_74] : memref<2x400x64xf32, #tpu.memory_space<vmem>> -> memref<1x50x64xf32, #tpu.memory_space<vmem>>
      %dma_start3A_76 = tpu.memref_squeeze %dma_start3A_75 : memref<1x50x64xf32, #tpu.memory_space<vmem>> -> memref<50x64xf32, #tpu.memory_space<vmem>>
      %dma_start3A_77 = arith.constant 0 : i32
      %dma_start3A_78 = arith.constant 0 : i32
      %dma_start3A_79 = tpu.memref_slice %arg4[%add3A_40, %dma_start3A_77, %dma_start3A_78] : memref<4096x56x128xf32, #tpu.memory_space<hbm>> -> memref<1x50x64xf32, #tpu.memory_space<hbm>>
      %dma_start3A_80 = tpu.memref_squeeze %dma_start3A_79 : memref<1x50x64xf32, #tpu.memory_space<hbm>> -> memref<50x64xf32, #tpu.memory_space<hbm>>
      %dma_start3A_81 = arith.constant 0 : i32
      %dma_start3A_82 = arith.constant 0 : i32
      %dma_start3A_83 = tpu.memref_slice %arg4[%add3A_40, %dma_start3A_81, %dma_start3A_82] : memref<4096x56x128xf32, #tpu.memory_space<hbm>> -> memref<1x50x64xf32, #tpu.memory_space<hbm>>
      %dma_start3A_84 = tpu.memref_squeeze %dma_start3A_83 : memref<1x50x64xf32, #tpu.memory_space<hbm>> -> memref<50x64xf32, #tpu.memory_space<hbm>>
      %dma_start3A_85 = arith.constant 50 : i32
      %dma_start3A_86 = arith.constant 0 : i32
      %dma_start3A_87 = tpu.memref_slice %arg6[%run_scoped3A_41, %dma_start3A_85, %dma_start3A_86] : memref<2x400x64xf32, #tpu.memory_space<vmem>> -> memref<1x50x64xf32, #tpu.memory_space<vmem>>
      %dma_start3A_88 = tpu.memref_squeeze %dma_start3A_87 : memref<1x50x64xf32, #tpu.memory_space<vmem>> -> memref<50x64xf32, #tpu.memory_space<vmem>>
      tpu.enqueue_dma source(%dma_start3A_88 : memref<50x64xf32, #tpu.memory_space<vmem>>) target(%dma_start3A_84 : memref<50x64xf32, #tpu.memory_space<hbm>>) target_semaphore(%run_scoped3A_72 : memref<!tpu.dma_semaphore, #tpu.memory_space<semaphore_mem>>)
      %dma_wait3A_89 = arith.constant 50 : i32
      %dma_wait3A_90 = arith.constant 0 : i32
      %dma_wait3A_91 = tpu.memref_slice %arg6[%run_scoped3A_41, %dma_wait3A_89, %dma_wait3A_90] : memref<2x400x64xf32, #tpu.memory_space<vmem>> -> memref<1x50x64xf32, #tpu.memory_space<vmem>>
      %dma_wait3A_92 = tpu.memref_squeeze %dma_wait3A_91 : memref<1x50x64xf32, #tpu.memory_space<vmem>> -> memref<50x64xf32, #tpu.memory_space<vmem>>
      %dma_wait3A_93 = arith.constant 0 : i32
      %dma_wait3A_94 = arith.constant 0 : i32
      %dma_wait3A_95 = tpu.memref_slice %arg4[%add3A_40, %dma_wait3A_93, %dma_wait3A_94] : memref<4096x56x128xf32, #tpu.memory_space<hbm>> -> memref<1x50x64xf32, #tpu.memory_space<hbm>>
      %dma_wait3A_96 = tpu.memref_squeeze %dma_wait3A_95 : memref<1x50x64xf32, #tpu.memory_space<hbm>> -> memref<50x64xf32, #tpu.memory_space<hbm>>
      %dma_wait3A_97 = arith.constant 0 : i32
      %dma_wait3A_98 = arith.constant 0 : i32
      %dma_wait3A_99 = tpu.memref_slice %arg4[%add3A_40, %dma_wait3A_97, %dma_wait3A_98] : memref<4096x56x128xf32, #tpu.memory_space<hbm>> -> memref<1x50x64xf32, #tpu.memory_space<hbm>>
      %dma_wait3A_100 = tpu.memref_squeeze %dma_wait3A_99 : memref<1x50x64xf32, #tpu.memory_space<hbm>> -> memref<50x64xf32, #tpu.memory_space<hbm>>
      %dma_wait3A_101 = arith.constant 50 : i32
      %dma_wait3A_102 = arith.constant 0 : i32
      %dma_wait3A_103 = tpu.memref_slice %arg6[%run_scoped3A_41, %dma_wait3A_101, %dma_wait3A_102] : memref<2x400x64xf32, #tpu.memory_space<vmem>> -> memref<1x50x64xf32, #tpu.memory_space<vmem>>
      %dma_wait3A_104 = tpu.memref_squeeze %dma_wait3A_103 : memref<1x50x64xf32, #tpu.memory_space<vmem>> -> memref<50x64xf32, #tpu.memory_space<vmem>>
      tpu.wait_dma2 semaphore(%run_scoped3A_72 : memref<!tpu.dma_semaphore, #tpu.memory_space<semaphore_mem>>) src(%dma_wait3A_104 : memref<50x64xf32, #tpu.memory_space<vmem>>) dst(%dma_wait3A_100 : memref<50x64xf32, #tpu.memory_space<hbm>>)
      tpu.yield
    }) : () -> ()
    %add3A_42 = arith.constant 120 : i32
    %add3A_43 = arith.addi %mul3A_2, %add3A_42 : i32
    %add3A_44 = arith.constant 2 : i32
    %add3A_45 = arith.addi %add3A_43, %add3A_44 : i32
    %run_scoped3A_46 = arith.constant 1 : i32
    "tpu.region"() ({
      %run_scoped3A_72 = tpu.sem_alloc : memref<!tpu.dma_semaphore, #tpu.memory_space<semaphore_mem>>
      %dma_start3A_73 = arith.constant 100 : i32
      %dma_start3A_74 = arith.constant 0 : i32
      %dma_start3A_75 = tpu.memref_slice %arg6[%run_scoped3A_46, %dma_start3A_73, %dma_start3A_74] : memref<2x400x64xf32, #tpu.memory_space<vmem>> -> memref<1x50x64xf32, #tpu.memory_space<vmem>>
      %dma_start3A_76 = tpu.memref_squeeze %dma_start3A_75 : memref<1x50x64xf32, #tpu.memory_space<vmem>> -> memref<50x64xf32, #tpu.memory_space<vmem>>
      %dma_start3A_77 = arith.constant 0 : i32
      %dma_start3A_78 = arith.constant 0 : i32
      %dma_start3A_79 = tpu.memref_slice %arg4[%add3A_45, %dma_start3A_77, %dma_start3A_78] : memref<4096x56x128xf32, #tpu.memory_space<hbm>> -> memref<1x50x64xf32, #tpu.memory_space<hbm>>
      %dma_start3A_80 = tpu.memref_squeeze %dma_start3A_79 : memref<1x50x64xf32, #tpu.memory_space<hbm>> -> memref<50x64xf32, #tpu.memory_space<hbm>>
      %dma_start3A_81 = arith.constant 0 : i32
      %dma_start3A_82 = arith.constant 0 : i32
      %dma_start3A_83 = tpu.memref_slice %arg4[%add3A_45, %dma_start3A_81, %dma_start3A_82] : memref<4096x56x128xf32, #tpu.memory_space<hbm>> -> memref<1x50x64xf32, #tpu.memory_space<hbm>>
      %dma_start3A_84 = tpu.memref_squeeze %dma_start3A_83 : memref<1x50x64xf32, #tpu.memory_space<hbm>> -> memref<50x64xf32, #tpu.memory_space<hbm>>
      %dma_start3A_85 = arith.constant 100 : i32
      %dma_start3A_86 = arith.constant 0 : i32
      %dma_start3A_87 = tpu.memref_slice %arg6[%run_scoped3A_46, %dma_start3A_85, %dma_start3A_86] : memref<2x400x64xf32, #tpu.memory_space<vmem>> -> memref<1x50x64xf32, #tpu.memory_space<vmem>>
      %dma_start3A_88 = tpu.memref_squeeze %dma_start3A_87 : memref<1x50x64xf32, #tpu.memory_space<vmem>> -> memref<50x64xf32, #tpu.memory_space<vmem>>
      tpu.enqueue_dma source(%dma_start3A_88 : memref<50x64xf32, #tpu.memory_space<vmem>>) target(%dma_start3A_84 : memref<50x64xf32, #tpu.memory_space<hbm>>) target_semaphore(%run_scoped3A_72 : memref<!tpu.dma_semaphore, #tpu.memory_space<semaphore_mem>>)
      %dma_wait3A_89 = arith.constant 100 : i32
      %dma_wait3A_90 = arith.constant 0 : i32
      %dma_wait3A_91 = tpu.memref_slice %arg6[%run_scoped3A_46, %dma_wait3A_89, %dma_wait3A_90] : memref<2x400x64xf32, #tpu.memory_space<vmem>> -> memref<1x50x64xf32, #tpu.memory_space<vmem>>
      %dma_wait3A_92 = tpu.memref_squeeze %dma_wait3A_91 : memref<1x50x64xf32, #tpu.memory_space<vmem>> -> memref<50x64xf32, #tpu.memory_space<vmem>>
      %dma_wait3A_93 = arith.constant 0 : i32
      %dma_wait3A_94 = arith.constant 0 : i32
      %dma_wait3A_95 = tpu.memref_slice %arg4[%add3A_45, %dma_wait3A_93, %dma_wait3A_94] : memref<4096x56x128xf32, #tpu.memory_space<hbm>> -> memref<1x50x64xf32, #tpu.memory_space<hbm>>
      %dma_wait3A_96 = tpu.memref_squeeze %dma_wait3A_95 : memref<1x50x64xf32, #tpu.memory_space<hbm>> -> memref<50x64xf32, #tpu.memory_space<hbm>>
      %dma_wait3A_97 = arith.constant 0 : i32
      %dma_wait3A_98 = arith.constant 0 : i32
      %dma_wait3A_99 = tpu.memref_slice %arg4[%add3A_45, %dma_wait3A_97, %dma_wait3A_98] : memref<4096x56x128xf32, #tpu.memory_space<hbm>> -> memref<1x50x64xf32, #tpu.memory_space<hbm>>
      %dma_wait3A_100 = tpu.memref_squeeze %dma_wait3A_99 : memref<1x50x64xf32, #tpu.memory_space<hbm>> -> memref<50x64xf32, #tpu.memory_space<hbm>>
      %dma_wait3A_101 = arith.constant 100 : i32
      %dma_wait3A_102 = arith.constant 0 : i32
      %dma_wait3A_103 = tpu.memref_slice %arg6[%run_scoped3A_46, %dma_wait3A_101, %dma_wait3A_102] : memref<2x400x64xf32, #tpu.memory_space<vmem>> -> memref<1x50x64xf32, #tpu.memory_space<vmem>>
      %dma_wait3A_104 = tpu.memref_squeeze %dma_wait3A_103 : memref<1x50x64xf32, #tpu.memory_space<vmem>> -> memref<50x64xf32, #tpu.memory_space<vmem>>
      tpu.wait_dma2 semaphore(%run_scoped3A_72 : memref<!tpu.dma_semaphore, #tpu.memory_space<semaphore_mem>>) src(%dma_wait3A_104 : memref<50x64xf32, #tpu.memory_space<vmem>>) dst(%dma_wait3A_100 : memref<50x64xf32, #tpu.memory_space<hbm>>)
      tpu.yield
    }) : () -> ()
    %add3A_47 = arith.constant 120 : i32
    %add3A_48 = arith.addi %mul3A_2, %add3A_47 : i32
    %add3A_49 = arith.constant 3 : i32
    %add3A_50 = arith.addi %add3A_48, %add3A_49 : i32
    %run_scoped3A_51 = arith.constant 1 : i32
    "tpu.region"() ({
      %run_scoped3A_72 = tpu.sem_alloc : memref<!tpu.dma_semaphore, #tpu.memory_space<semaphore_mem>>
      %dma_start3A_73 = arith.constant 150 : i32
      %dma_start3A_74 = arith.constant 0 : i32
      %dma_start3A_75 = tpu.memref_slice %arg6[%run_scoped3A_51, %dma_start3A_73, %dma_start3A_74] : memref<2x400x64xf32, #tpu.memory_space<vmem>> -> memref<1x50x64xf32, #tpu.memory_space<vmem>>
      %dma_start3A_76 = tpu.memref_squeeze %dma_start3A_75 : memref<1x50x64xf32, #tpu.memory_space<vmem>> -> memref<50x64xf32, #tpu.memory_space<vmem>>
      %dma_start3A_77 = arith.constant 0 : i32
      %dma_start3A_78 = arith.constant 0 : i32
      %dma_start3A_79 = tpu.memref_slice %arg4[%add3A_50, %dma_start3A_77, %dma_start3A_78] : memref<4096x56x128xf32, #tpu.memory_space<hbm>> -> memref<1x50x64xf32, #tpu.memory_space<hbm>>
      %dma_start3A_80 = tpu.memref_squeeze %dma_start3A_79 : memref<1x50x64xf32, #tpu.memory_space<hbm>> -> memref<50x64xf32, #tpu.memory_space<hbm>>
      %dma_start3A_81 = arith.constant 0 : i32
      %dma_start3A_82 = arith.constant 0 : i32
      %dma_start3A_83 = tpu.memref_slice %arg4[%add3A_50, %dma_start3A_81, %dma_start3A_82] : memref<4096x56x128xf32, #tpu.memory_space<hbm>> -> memref<1x50x64xf32, #tpu.memory_space<hbm>>
      %dma_start3A_84 = tpu.memref_squeeze %dma_start3A_83 : memref<1x50x64xf32, #tpu.memory_space<hbm>> -> memref<50x64xf32, #tpu.memory_space<hbm>>
      %dma_start3A_85 = arith.constant 150 : i32
      %dma_start3A_86 = arith.constant 0 : i32
      %dma_start3A_87 = tpu.memref_slice %arg6[%run_scoped3A_51, %dma_start3A_85, %dma_start3A_86] : memref<2x400x64xf32, #tpu.memory_space<vmem>> -> memref<1x50x64xf32, #tpu.memory_space<vmem>>
      %dma_start3A_88 = tpu.memref_squeeze %dma_start3A_87 : memref<1x50x64xf32, #tpu.memory_space<vmem>> -> memref<50x64xf32, #tpu.memory_space<vmem>>
      tpu.enqueue_dma source(%dma_start3A_88 : memref<50x64xf32, #tpu.memory_space<vmem>>) target(%dma_start3A_84 : memref<50x64xf32, #tpu.memory_space<hbm>>) target_semaphore(%run_scoped3A_72 : memref<!tpu.dma_semaphore, #tpu.memory_space<semaphore_mem>>)
      %dma_wait3A_89 = arith.constant 150 : i32
      %dma_wait3A_90 = arith.constant 0 : i32
      %dma_wait3A_91 = tpu.memref_slice %arg6[%run_scoped3A_51, %dma_wait3A_89, %dma_wait3A_90] : memref<2x400x64xf32, #tpu.memory_space<vmem>> -> memref<1x50x64xf32, #tpu.memory_space<vmem>>
      %dma_wait3A_92 = tpu.memref_squeeze %dma_wait3A_91 : memref<1x50x64xf32, #tpu.memory_space<vmem>> -> memref<50x64xf32, #tpu.memory_space<vmem>>
      %dma_wait3A_93 = arith.constant 0 : i32
      %dma_wait3A_94 = arith.constant 0 : i32
      %dma_wait3A_95 = tpu.memref_slice %arg4[%add3A_50, %dma_wait3A_93, %dma_wait3A_94] : memref<4096x56x128xf32, #tpu.memory_space<hbm>> -> memref<1x50x64xf32, #tpu.memory_space<hbm>>
      %dma_wait3A_96 = tpu.memref_squeeze %dma_wait3A_95 : memref<1x50x64xf32, #tpu.memory_space<hbm>> -> memref<50x64xf32, #tpu.memory_space<hbm>>
      %dma_wait3A_97 = arith.constant 0 : i32
      %dma_wait3A_98 = arith.constant 0 : i32
      %dma_wait3A_99 = tpu.memref_slice %arg4[%add3A_50, %dma_wait3A_97, %dma_wait3A_98] : memref<4096x56x128xf32, #tpu.memory_space<hbm>> -> memref<1x50x64xf32, #tpu.memory_space<hbm>>
      %dma_wait3A_100 = tpu.memref_squeeze %dma_wait3A_99 : memref<1x50x64xf32, #tpu.memory_space<hbm>> -> memref<50x64xf32, #tpu.memory_space<hbm>>
      %dma_wait3A_101 = arith.constant 150 : i32
      %dma_wait3A_102 = arith.constant 0 : i32
      %dma_wait3A_103 = tpu.memref_slice %arg6[%run_scoped3A_51, %dma_wait3A_101, %dma_wait3A_102] : memref<2x400x64xf32, #tpu.memory_space<vmem>> -> memref<1x50x64xf32, #tpu.memory_space<vmem>>
      %dma_wait3A_104 = tpu.memref_squeeze %dma_wait3A_103 : memref<1x50x64xf32, #tpu.memory_space<vmem>> -> memref<50x64xf32, #tpu.memory_space<vmem>>
      tpu.wait_dma2 semaphore(%run_scoped3A_72 : memref<!tpu.dma_semaphore, #tpu.memory_space<semaphore_mem>>) src(%dma_wait3A_104 : memref<50x64xf32, #tpu.memory_space<vmem>>) dst(%dma_wait3A_100 : memref<50x64xf32, #tpu.memory_space<hbm>>)
      tpu.yield
    }) : () -> ()
    %add3A_52 = arith.constant 120 : i32
    %add3A_53 = arith.addi %mul3A_2, %add3A_52 : i32
    %add3A_54 = arith.constant 4 : i32
    %add3A_55 = arith.addi %add3A_53, %add3A_54 : i32
    %run_scoped3A_56 = arith.constant 1 : i32
    "tpu.region"() ({
      %run_scoped3A_72 = tpu.sem_alloc : memref<!tpu.dma_semaphore, #tpu.memory_space<semaphore_mem>>
      %dma_start3A_73 = arith.constant 200 : i32
      %dma_start3A_74 = arith.constant 0 : i32
      %dma_start3A_75 = tpu.memref_slice %arg6[%run_scoped3A_56, %dma_start3A_73, %dma_start3A_74] : memref<2x400x64xf32, #tpu.memory_space<vmem>> -> memref<1x50x64xf32, #tpu.memory_space<vmem>>
      %dma_start3A_76 = tpu.memref_squeeze %dma_start3A_75 : memref<1x50x64xf32, #tpu.memory_space<vmem>> -> memref<50x64xf32, #tpu.memory_space<vmem>>
      %dma_start3A_77 = arith.constant 0 : i32
      %dma_start3A_78 = arith.constant 0 : i32
      %dma_start3A_79 = tpu.memref_slice %arg4[%add3A_55, %dma_start3A_77, %dma_start3A_78] : memref<4096x56x128xf32, #tpu.memory_space<hbm>> -> memref<1x50x64xf32, #tpu.memory_space<hbm>>
      %dma_start3A_80 = tpu.memref_squeeze %dma_start3A_79 : memref<1x50x64xf32, #tpu.memory_space<hbm>> -> memref<50x64xf32, #tpu.memory_space<hbm>>
      %dma_start3A_81 = arith.constant 0 : i32
      %dma_start3A_82 = arith.constant 0 : i32
      %dma_start3A_83 = tpu.memref_slice %arg4[%add3A_55, %dma_start3A_81, %dma_start3A_82] : memref<4096x56x128xf32, #tpu.memory_space<hbm>> -> memref<1x50x64xf32, #tpu.memory_space<hbm>>
      %dma_start3A_84 = tpu.memref_squeeze %dma_start3A_83 : memref<1x50x64xf32, #tpu.memory_space<hbm>> -> memref<50x64xf32, #tpu.memory_space<hbm>>
      %dma_start3A_85 = arith.constant 200 : i32
      %dma_start3A_86 = arith.constant 0 : i32
      %dma_start3A_87 = tpu.memref_slice %arg6[%run_scoped3A_56, %dma_start3A_85, %dma_start3A_86] : memref<2x400x64xf32, #tpu.memory_space<vmem>> -> memref<1x50x64xf32, #tpu.memory_space<vmem>>
      %dma_start3A_88 = tpu.memref_squeeze %dma_start3A_87 : memref<1x50x64xf32, #tpu.memory_space<vmem>> -> memref<50x64xf32, #tpu.memory_space<vmem>>
      tpu.enqueue_dma source(%dma_start3A_88 : memref<50x64xf32, #tpu.memory_space<vmem>>) target(%dma_start3A_84 : memref<50x64xf32, #tpu.memory_space<hbm>>) target_semaphore(%run_scoped3A_72 : memref<!tpu.dma_semaphore, #tpu.memory_space<semaphore_mem>>)
      %dma_wait3A_89 = arith.constant 200 : i32
      %dma_wait3A_90 = arith.constant 0 : i32
      %dma_wait3A_91 = tpu.memref_slice %arg6[%run_scoped3A_56, %dma_wait3A_89, %dma_wait3A_90] : memref<2x400x64xf32, #tpu.memory_space<vmem>> -> memref<1x50x64xf32, #tpu.memory_space<vmem>>
      %dma_wait3A_92 = tpu.memref_squeeze %dma_wait3A_91 : memref<1x50x64xf32, #tpu.memory_space<vmem>> -> memref<50x64xf32, #tpu.memory_space<vmem>>
      %dma_wait3A_93 = arith.constant 0 : i32
      %dma_wait3A_94 = arith.constant 0 : i32
      %dma_wait3A_95 = tpu.memref_slice %arg4[%add3A_55, %dma_wait3A_93, %dma_wait3A_94] : memref<4096x56x128xf32, #tpu.memory_space<hbm>> -> memref<1x50x64xf32, #tpu.memory_space<hbm>>
      %dma_wait3A_96 = tpu.memref_squeeze %dma_wait3A_95 : memref<1x50x64xf32, #tpu.memory_space<hbm>> -> memref<50x64xf32, #tpu.memory_space<hbm>>
      %dma_wait3A_97 = arith.constant 0 : i32
      %dma_wait3A_98 = arith.constant 0 : i32
      %dma_wait3A_99 = tpu.memref_slice %arg4[%add3A_55, %dma_wait3A_97, %dma_wait3A_98] : memref<4096x56x128xf32, #tpu.memory_space<hbm>> -> memref<1x50x64xf32, #tpu.memory_space<hbm>>
      %dma_wait3A_100 = tpu.memref_squeeze %dma_wait3A_99 : memref<1x50x64xf32, #tpu.memory_space<hbm>> -> memref<50x64xf32, #tpu.memory_space<hbm>>
      %dma_wait3A_101 = arith.constant 200 : i32
      %dma_wait3A_102 = arith.constant 0 : i32
      %dma_wait3A_103 = tpu.memref_slice %arg6[%run_scoped3A_56, %dma_wait3A_101, %dma_wait3A_102] : memref<2x400x64xf32, #tpu.memory_space<vmem>> -> memref<1x50x64xf32, #tpu.memory_space<vmem>>
      %dma_wait3A_104 = tpu.memref_squeeze %dma_wait3A_103 : memref<1x50x64xf32, #tpu.memory_space<vmem>> -> memref<50x64xf32, #tpu.memory_space<vmem>>
      tpu.wait_dma2 semaphore(%run_scoped3A_72 : memref<!tpu.dma_semaphore, #tpu.memory_space<semaphore_mem>>) src(%dma_wait3A_104 : memref<50x64xf32, #tpu.memory_space<vmem>>) dst(%dma_wait3A_100 : memref<50x64xf32, #tpu.memory_space<hbm>>)
      tpu.yield
    }) : () -> ()
    %add3A_57 = arith.constant 120 : i32
    %add3A_58 = arith.addi %mul3A_2, %add3A_57 : i32
    %add3A_59 = arith.constant 5 : i32
    %add3A_60 = arith.addi %add3A_58, %add3A_59 : i32
    %run_scoped3A_61 = arith.constant 1 : i32
    "tpu.region"() ({
      %run_scoped3A_72 = tpu.sem_alloc : memref<!tpu.dma_semaphore, #tpu.memory_space<semaphore_mem>>
      %dma_start3A_73 = arith.constant 250 : i32
      %dma_start3A_74 = arith.constant 0 : i32
      %dma_start3A_75 = tpu.memref_slice %arg6[%run_scoped3A_61, %dma_start3A_73, %dma_start3A_74] : memref<2x400x64xf32, #tpu.memory_space<vmem>> -> memref<1x50x64xf32, #tpu.memory_space<vmem>>
      %dma_start3A_76 = tpu.memref_squeeze %dma_start3A_75 : memref<1x50x64xf32, #tpu.memory_space<vmem>> -> memref<50x64xf32, #tpu.memory_space<vmem>>
      %dma_start3A_77 = arith.constant 0 : i32
      %dma_start3A_78 = arith.constant 0 : i32
      %dma_start3A_79 = tpu.memref_slice %arg4[%add3A_60, %dma_start3A_77, %dma_start3A_78] : memref<4096x56x128xf32, #tpu.memory_space<hbm>> -> memref<1x50x64xf32, #tpu.memory_space<hbm>>
      %dma_start3A_80 = tpu.memref_squeeze %dma_start3A_79 : memref<1x50x64xf32, #tpu.memory_space<hbm>> -> memref<50x64xf32, #tpu.memory_space<hbm>>
      %dma_start3A_81 = arith.constant 0 : i32
      %dma_start3A_82 = arith.constant 0 : i32
      %dma_start3A_83 = tpu.memref_slice %arg4[%add3A_60, %dma_start3A_81, %dma_start3A_82] : memref<4096x56x128xf32, #tpu.memory_space<hbm>> -> memref<1x50x64xf32, #tpu.memory_space<hbm>>
      %dma_start3A_84 = tpu.memref_squeeze %dma_start3A_83 : memref<1x50x64xf32, #tpu.memory_space<hbm>> -> memref<50x64xf32, #tpu.memory_space<hbm>>
      %dma_start3A_85 = arith.constant 250 : i32
      %dma_start3A_86 = arith.constant 0 : i32
      %dma_start3A_87 = tpu.memref_slice %arg6[%run_scoped3A_61, %dma_start3A_85, %dma_start3A_86] : memref<2x400x64xf32, #tpu.memory_space<vmem>> -> memref<1x50x64xf32, #tpu.memory_space<vmem>>
      %dma_start3A_88 = tpu.memref_squeeze %dma_start3A_87 : memref<1x50x64xf32, #tpu.memory_space<vmem>> -> memref<50x64xf32, #tpu.memory_space<vmem>>
      tpu.enqueue_dma source(%dma_start3A_88 : memref<50x64xf32, #tpu.memory_space<vmem>>) target(%dma_start3A_84 : memref<50x64xf32, #tpu.memory_space<hbm>>) target_semaphore(%run_scoped3A_72 : memref<!tpu.dma_semaphore, #tpu.memory_space<semaphore_mem>>)
      %dma_wait3A_89 = arith.constant 250 : i32
      %dma_wait3A_90 = arith.constant 0 : i32
      %dma_wait3A_91 = tpu.memref_slice %arg6[%run_scoped3A_61, %dma_wait3A_89, %dma_wait3A_90] : memref<2x400x64xf32, #tpu.memory_space<vmem>> -> memref<1x50x64xf32, #tpu.memory_space<vmem>>
      %dma_wait3A_92 = tpu.memref_squeeze %dma_wait3A_91 : memref<1x50x64xf32, #tpu.memory_space<vmem>> -> memref<50x64xf32, #tpu.memory_space<vmem>>
      %dma_wait3A_93 = arith.constant 0 : i32
      %dma_wait3A_94 = arith.constant 0 : i32
      %dma_wait3A_95 = tpu.memref_slice %arg4[%add3A_60, %dma_wait3A_93, %dma_wait3A_94] : memref<4096x56x128xf32, #tpu.memory_space<hbm>> -> memref<1x50x64xf32, #tpu.memory_space<hbm>>
      %dma_wait3A_96 = tpu.memref_squeeze %dma_wait3A_95 : memref<1x50x64xf32, #tpu.memory_space<hbm>> -> memref<50x64xf32, #tpu.memory_space<hbm>>
      %dma_wait3A_97 = arith.constant 0 : i32
      %dma_wait3A_98 = arith.constant 0 : i32
      %dma_wait3A_99 = tpu.memref_slice %arg4[%add3A_60, %dma_wait3A_97, %dma_wait3A_98] : memref<4096x56x128xf32, #tpu.memory_space<hbm>> -> memref<1x50x64xf32, #tpu.memory_space<hbm>>
      %dma_wait3A_100 = tpu.memref_squeeze %dma_wait3A_99 : memref<1x50x64xf32, #tpu.memory_space<hbm>> -> memref<50x64xf32, #tpu.memory_space<hbm>>
      %dma_wait3A_101 = arith.constant 250 : i32
      %dma_wait3A_102 = arith.constant 0 : i32
      %dma_wait3A_103 = tpu.memref_slice %arg6[%run_scoped3A_61, %dma_wait3A_101, %dma_wait3A_102] : memref<2x400x64xf32, #tpu.memory_space<vmem>> -> memref<1x50x64xf32, #tpu.memory_space<vmem>>
      %dma_wait3A_104 = tpu.memref_squeeze %dma_wait3A_103 : memref<1x50x64xf32, #tpu.memory_space<vmem>> -> memref<50x64xf32, #tpu.memory_space<vmem>>
      tpu.wait_dma2 semaphore(%run_scoped3A_72 : memref<!tpu.dma_semaphore, #tpu.memory_space<semaphore_mem>>) src(%dma_wait3A_104 : memref<50x64xf32, #tpu.memory_space<vmem>>) dst(%dma_wait3A_100 : memref<50x64xf32, #tpu.memory_space<hbm>>)
      tpu.yield
    }) : () -> ()
    %add3A_62 = arith.constant 120 : i32
    %add3A_63 = arith.addi %mul3A_2, %add3A_62 : i32
    %add3A_64 = arith.constant 6 : i32
    %add3A_65 = arith.addi %add3A_63, %add3A_64 : i32
    %run_scoped3A_66 = arith.constant 1 : i32
    "tpu.region"() ({
      %run_scoped3A_72 = tpu.sem_alloc : memref<!tpu.dma_semaphore, #tpu.memory_space<semaphore_mem>>
      %dma_start3A_73 = arith.constant 300 : i32
      %dma_start3A_74 = arith.constant 0 : i32
      %dma_start3A_75 = tpu.memref_slice %arg6[%run_scoped3A_66, %dma_start3A_73, %dma_start3A_74] : memref<2x400x64xf32, #tpu.memory_space<vmem>> -> memref<1x50x64xf32, #tpu.memory_space<vmem>>
      %dma_start3A_76 = tpu.memref_squeeze %dma_start3A_75 : memref<1x50x64xf32, #tpu.memory_space<vmem>> -> memref<50x64xf32, #tpu.memory_space<vmem>>
      %dma_start3A_77 = arith.constant 0 : i32
      %dma_start3A_78 = arith.constant 0 : i32
      %dma_start3A_79 = tpu.memref_slice %arg4[%add3A_65, %dma_start3A_77, %dma_start3A_78] : memref<4096x56x128xf32, #tpu.memory_space<hbm>> -> memref<1x50x64xf32, #tpu.memory_space<hbm>>
      %dma_start3A_80 = tpu.memref_squeeze %dma_start3A_79 : memref<1x50x64xf32, #tpu.memory_space<hbm>> -> memref<50x64xf32, #tpu.memory_space<hbm>>
      %dma_start3A_81 = arith.constant 0 : i32
      %dma_start3A_82 = arith.constant 0 : i32
      %dma_start3A_83 = tpu.memref_slice %arg4[%add3A_65, %dma_start3A_81, %dma_start3A_82] : memref<4096x56x128xf32, #tpu.memory_space<hbm>> -> memref<1x50x64xf32, #tpu.memory_space<hbm>>
      %dma_start3A_84 = tpu.memref_squeeze %dma_start3A_83 : memref<1x50x64xf32, #tpu.memory_space<hbm>> -> memref<50x64xf32, #tpu.memory_space<hbm>>
      %dma_start3A_85 = arith.constant 300 : i32
      %dma_start3A_86 = arith.constant 0 : i32
      %dma_start3A_87 = tpu.memref_slice %arg6[%run_scoped3A_66, %dma_start3A_85, %dma_start3A_86] : memref<2x400x64xf32, #tpu.memory_space<vmem>> -> memref<1x50x64xf32, #tpu.memory_space<vmem>>
      %dma_start3A_88 = tpu.memref_squeeze %dma_start3A_87 : memref<1x50x64xf32, #tpu.memory_space<vmem>> -> memref<50x64xf32, #tpu.memory_space<vmem>>
      tpu.enqueue_dma source(%dma_start3A_88 : memref<50x64xf32, #tpu.memory_space<vmem>>) target(%dma_start3A_84 : memref<50x64xf32, #tpu.memory_space<hbm>>) target_semaphore(%run_scoped3A_72 : memref<!tpu.dma_semaphore, #tpu.memory_space<semaphore_mem>>)
      %dma_wait3A_89 = arith.constant 300 : i32
      %dma_wait3A_90 = arith.constant 0 : i32
      %dma_wait3A_91 = tpu.memref_slice %arg6[%run_scoped3A_66, %dma_wait3A_89, %dma_wait3A_90] : memref<2x400x64xf32, #tpu.memory_space<vmem>> -> memref<1x50x64xf32, #tpu.memory_space<vmem>>
      %dma_wait3A_92 = tpu.memref_squeeze %dma_wait3A_91 : memref<1x50x64xf32, #tpu.memory_space<vmem>> -> memref<50x64xf32, #tpu.memory_space<vmem>>
      %dma_wait3A_93 = arith.constant 0 : i32
      %dma_wait3A_94 = arith.constant 0 : i32
      %dma_wait3A_95 = tpu.memref_slice %arg4[%add3A_65, %dma_wait3A_93, %dma_wait3A_94] : memref<4096x56x128xf32, #tpu.memory_space<hbm>> -> memref<1x50x64xf32, #tpu.memory_space<hbm>>
      %dma_wait3A_96 = tpu.memref_squeeze %dma_wait3A_95 : memref<1x50x64xf32, #tpu.memory_space<hbm>> -> memref<50x64xf32, #tpu.memory_space<hbm>>
      %dma_wait3A_97 = arith.constant 0 : i32
      %dma_wait3A_98 = arith.constant 0 : i32
      %dma_wait3A_99 = tpu.memref_slice %arg4[%add3A_65, %dma_wait3A_97, %dma_wait3A_98] : memref<4096x56x128xf32, #tpu.memory_space<hbm>> -> memref<1x50x64xf32, #tpu.memory_space<hbm>>
      %dma_wait3A_100 = tpu.memref_squeeze %dma_wait3A_99 : memref<1x50x64xf32, #tpu.memory_space<hbm>> -> memref<50x64xf32, #tpu.memory_space<hbm>>
      %dma_wait3A_101 = arith.constant 300 : i32
      %dma_wait3A_102 = arith.constant 0 : i32
      %dma_wait3A_103 = tpu.memref_slice %arg6[%run_scoped3A_66, %dma_wait3A_101, %dma_wait3A_102] : memref<2x400x64xf32, #tpu.memory_space<vmem>> -> memref<1x50x64xf32, #tpu.memory_space<vmem>>
      %dma_wait3A_104 = tpu.memref_squeeze %dma_wait3A_103 : memref<1x50x64xf32, #tpu.memory_space<vmem>> -> memref<50x64xf32, #tpu.memory_space<vmem>>
      tpu.wait_dma2 semaphore(%run_scoped3A_72 : memref<!tpu.dma_semaphore, #tpu.memory_space<semaphore_mem>>) src(%dma_wait3A_104 : memref<50x64xf32, #tpu.memory_space<vmem>>) dst(%dma_wait3A_100 : memref<50x64xf32, #tpu.memory_space<hbm>>)
      tpu.yield
    }) : () -> ()
    %add3A_67 = arith.constant 120 : i32
    %add3A_68 = arith.addi %mul3A_2, %add3A_67 : i32
    %add3A_69 = arith.constant 7 : i32
    %add3A_70 = arith.addi %add3A_68, %add3A_69 : i32
    %run_scoped3A_71 = arith.constant 1 : i32
    "tpu.region"() ({
      %run_scoped3A_72 = tpu.sem_alloc : memref<!tpu.dma_semaphore, #tpu.memory_space<semaphore_mem>>
      %dma_start3A_73 = arith.constant 350 : i32
      %dma_start3A_74 = arith.constant 0 : i32
      %dma_start3A_75 = tpu.memref_slice %arg6[%run_scoped3A_71, %dma_start3A_73, %dma_start3A_74] : memref<2x400x64xf32, #tpu.memory_space<vmem>> -> memref<1x50x64xf32, #tpu.memory_space<vmem>>
      %dma_start3A_76 = tpu.memref_squeeze %dma_start3A_75 : memref<1x50x64xf32, #tpu.memory_space<vmem>> -> memref<50x64xf32, #tpu.memory_space<vmem>>
      %dma_start3A_77 = arith.constant 0 : i32
      %dma_start3A_78 = arith.constant 0 : i32
      %dma_start3A_79 = tpu.memref_slice %arg4[%add3A_70, %dma_start3A_77, %dma_start3A_78] : memref<4096x56x128xf32, #tpu.memory_space<hbm>> -> memref<1x50x64xf32, #tpu.memory_space<hbm>>
      %dma_start3A_80 = tpu.memref_squeeze %dma_start3A_79 : memref<1x50x64xf32, #tpu.memory_space<hbm>> -> memref<50x64xf32, #tpu.memory_space<hbm>>
      %dma_start3A_81 = arith.constant 0 : i32
      %dma_start3A_82 = arith.constant 0 : i32
      %dma_start3A_83 = tpu.memref_slice %arg4[%add3A_70, %dma_start3A_81, %dma_start3A_82] : memref<4096x56x128xf32, #tpu.memory_space<hbm>> -> memref<1x50x64xf32, #tpu.memory_space<hbm>>
      %dma_start3A_84 = tpu.memref_squeeze %dma_start3A_83 : memref<1x50x64xf32, #tpu.memory_space<hbm>> -> memref<50x64xf32, #tpu.memory_space<hbm>>
      %dma_start3A_85 = arith.constant 350 : i32
      %dma_start3A_86 = arith.constant 0 : i32
      %dma_start3A_87 = tpu.memref_slice %arg6[%run_scoped3A_71, %dma_start3A_85, %dma_start3A_86] : memref<2x400x64xf32, #tpu.memory_space<vmem>> -> memref<1x50x64xf32, #tpu.memory_space<vmem>>
      %dma_start3A_88 = tpu.memref_squeeze %dma_start3A_87 : memref<1x50x64xf32, #tpu.memory_space<vmem>> -> memref<50x64xf32, #tpu.memory_space<vmem>>
      tpu.enqueue_dma source(%dma_start3A_88 : memref<50x64xf32, #tpu.memory_space<vmem>>) target(%dma_start3A_84 : memref<50x64xf32, #tpu.memory_space<hbm>>) target_semaphore(%run_scoped3A_72 : memref<!tpu.dma_semaphore, #tpu.memory_space<semaphore_mem>>)
      %dma_wait3A_89 = arith.constant 350 : i32
      %dma_wait3A_90 = arith.constant 0 : i32
      %dma_wait3A_91 = tpu.memref_slice %arg6[%run_scoped3A_71, %dma_wait3A_89, %dma_wait3A_90] : memref<2x400x64xf32, #tpu.memory_space<vmem>> -> memref<1x50x64xf32, #tpu.memory_space<vmem>>
      %dma_wait3A_92 = tpu.memref_squeeze %dma_wait3A_91 : memref<1x50x64xf32, #tpu.memory_space<vmem>> -> memref<50x64xf32, #tpu.memory_space<vmem>>
      %dma_wait3A_93 = arith.constant 0 : i32
      %dma_wait3A_94 = arith.constant 0 : i32
      %dma_wait3A_95 = tpu.memref_slice %arg4[%add3A_70, %dma_wait3A_93, %dma_wait3A_94] : memref<4096x56x128xf32, #tpu.memory_space<hbm>> -> memref<1x50x64xf32, #tpu.memory_space<hbm>>
      %dma_wait3A_96 = tpu.memref_squeeze %dma_wait3A_95 : memref<1x50x64xf32, #tpu.memory_space<hbm>> -> memref<50x64xf32, #tpu.memory_space<hbm>>
      %dma_wait3A_97 = arith.constant 0 : i32
      %dma_wait3A_98 = arith.constant 0 : i32
      %dma_wait3A_99 = tpu.memref_slice %arg4[%add3A_70, %dma_wait3A_97, %dma_wait3A_98] : memref<4096x56x128xf32, #tpu.memory_space<hbm>> -> memref<1x50x64xf32, #tpu.memory_space<hbm>>
      %dma_wait3A_100 = tpu.memref_squeeze %dma_wait3A_99 : memref<1x50x64xf32, #tpu.memory_space<hbm>> -> memref<50x64xf32, #tpu.memory_space<hbm>>
      %dma_wait3A_101 = arith.constant 350 : i32
      %dma_wait3A_102 = arith.constant 0 : i32
      %dma_wait3A_103 = tpu.memref_slice %arg6[%run_scoped3A_71, %dma_wait3A_101, %dma_wait3A_102] : memref<2x400x64xf32, #tpu.memory_space<vmem>> -> memref<1x50x64xf32, #tpu.memory_space<vmem>>
      %dma_wait3A_104 = tpu.memref_squeeze %dma_wait3A_103 : memref<1x50x64xf32, #tpu.memory_space<vmem>> -> memref<50x64xf32, #tpu.memory_space<vmem>>
      tpu.wait_dma2 semaphore(%run_scoped3A_72 : memref<!tpu.dma_semaphore, #tpu.memory_space<semaphore_mem>>) src(%dma_wait3A_104 : memref<50x64xf32, #tpu.memory_space<vmem>>) dst(%dma_wait3A_100 : memref<50x64xf32, #tpu.memory_space<hbm>>)
      tpu.yield
    }) : () -> ()
    return
  }
}

</mosaic_0001>

<sc_bundles>
// kernel: _sc_gather.3.cloned.1.call-start
scs
__scs_entry_jumppad:
0x0: {  	(pc) =	sbr.rel $0x88, $3  }
0x1: {  	(tag) =	ssettag $0x0;
	lr =	simm.s32 $0x1  }
0x2: {  	[smem:$0x3F9F] =	sst lr;
	_ =	strace $0xD0000000  }
0x3: {  	_ = 	snop  }
0x4: {  	_ = 	snop  }
0x5: {  	_ = 	snop  }
0x6: {  	_ = 	snop  }
0x7: {  	_ = 	snop  }
__scs_overlays_trampoline_lowered:
0x8: {  	[smem:$0x3FAE] =	sst s0  }
0x9: {  	[smem:$0x3FAF] =	sst s1  }
0xa: {  	[smem:$0x3FB0] =	sst s2  }
0xb: {  	[smem:$0x3FB1] =	sst s3  }
0xc: {  	[smem:$0x3FB2] =	sst s4  }
0xd: {  	[smem:$0x3FB3] =	sst s5  }
0xe: {  	[smem:$0x3FB4] =	sst s6  }
0xf: {  	[smem:$0x3FB5] =	sst s7  }
0x10: {  	[smem:$0x3FB6] =	sst s8  }
0x11: {  	[smem:$0x3FB7] =	sst s9;
	s0 =	simm.s32 @!p0 $0x0  }
0x12: {  	s1 =	sld [smem:$0x3F9D];
	s0 =	simm.s32 @p0 $0x1  }
0x13: {  	[smem:$0x3FB8] =	sst s0;
	s0 =	simm.s32 @!p1 $0x0  }
0x14: {  	s2 =	sld [smem:$0x3F9C];
	s0 =	simm.s32 @p1 $0x1  }
0x15: {  	[smem:$0x3FB9] =	sst s0;
	s0 =	simm.s32 @!p2 $0x0  }
0x16: {  	s3 =	sld [smem:$0x3FDB];
	s0 =	simm.s32 @p2 $0x1  }
0x17: {  	s4 =	simm.s32 $0x1BF5;
	[smem:$0x3FBB] =	sst s0  }
0x18: {  	s0 =	sld [smem:$0x3F9E];
	_ =	swait.ge [sflag:s4], $0x0  }
0x19: {  	s7 =	sld [smem:$0x3F9F]  }
0x1a: {  	s8 =	sadd.s32 $0xFFFFE003, lr  }
0x1b: {  	s9 =	sadd.s32 $0xFFFFFEF7, lr;
	s5 =	simm.s32 $0xFFFFFFFF;
	p2 =	slt.u32 s8, $0xFFFFF086  }
0x1c: {  	p1 =	slt.u32 s9, $0xF7A;
	s5 =	simm.s32 @!p2 $0x0  }
0x1d: {  	s5 =	simm.s32 @p1 $0x1;
	p0 =	seq.s32 s7, s2  }
0x1e: {  	s7 =	smul.u32 @!p0 $0xF7A, s2;
	p2 =	seq.s32 @!p0 s5, $0x0  }
0x1f: {  	s9 =	smul.u32 $0xF7A, s1;
	s8 =	simm.s32 @!p0 $0x1BF5;
	p2 =	por !p2, p0  }
0x20: {  	[sflag:s8] =	ssyncset.s32 @!p0 $0xFFFFF086;
	s6 =	sadd.s32 @!p0 s3, s7;
	s7 =	simm.s32 @!p0 $0x108  }
0x21: {  	s3 =	sadd.s32 s3, s9;
	s6 =	sadd.s32 @!p0 $0x88, s6;
	s7 =	simm.s32 @p2 $0x1082  }
0x22: {  	[simem:s7], [sflag:s8] =	dma.local @!p0 [hbm:s6], $0xF7A  }
0x23: {  	s9 =	sor.u32 $0xD0000000, s2;
	s6 =	simm.s32 $0x108;
	_ =	swait.ge @!p0 [sflag:s8], $0x0  }
0x24: {  	s3 =	sadd.s32 $0x88, s3;
	s6 =	simm.s32 @!p1 $0x1082;
	[sflag:s4] =	ssyncset.s32 $0xFFFFF086  }
0x25: {  	[simem:s6], [sflag:s4] =	dma.local [hbm:s3], $0xF7A  }
0x26: {  	[smem:$0x3F9F] =	sst s1;
	(tag) =	ssettag s2;
	_ =	strace s9  }
0x27: {  	s1 =	sld [smem:$0x3FAF]  }
0x28: {  	s2 =	sld [smem:$0x3FB0]  }
0x29: {  	s4 =	sld [smem:$0x3FB2]  }
0x2a: {  	p0 =	seq.s32 s5, $0x0;
	s5 =	sld [smem:$0x3FB3]  }
0x2b: {  	s6 =	sld [smem:$0x3FB4]  }
0x2c: {  	s7 =	sld [smem:$0x3FB5]  }
0x2d: {  	s3 =	simm.s32 $0x108;
	s8 =	sld [smem:$0x3FB6]  }
0x2e: {  	s3 =	simm.s32 @!p0 $0x1082;
	s9 =	sld [smem:$0x3FB7]  }
0x2f: {  	lr =	sadd.s32 s0, s3;
	s0 =	sld [smem:$0x3FAE]  }
0x30: {  	s3 =	sld [smem:$0x3FB1]  }
0x31: {  	[smem:$0x3FBA] =	sst s10  }
0x32: {  	s10 =	sld [smem:$0x3FB8];
	_ =	sdelay $0x3  }
0x33: {  	p0 =	seq.s32 s10, $0x1;
	s10 =	sld [smem:$0x3FBA];
	_ =	sdelay $0x3  }
0x34: {  	[smem:$0x3FBA] =	sst s10  }
0x35: {  	s10 =	sld [smem:$0x3FB9];
	_ =	sdelay $0x3  }
0x36: {  	p1 =	seq.s32 s10, $0x1;
	s10 =	sld [smem:$0x3FBA];
	_ =	sdelay $0x3  }
0x37: {  	[smem:$0x3FBA] =	sst s10  }
0x38: {  	s10 =	sld [smem:$0x3FBB]  }
0x39: {  	_ = 	snop;
	(pc) =	sbr.ind lr, $3  }
0x3a: {  	_ = 	snop  }
0x3b: {  	_ = 	snop  }
0x3c: {  	p2 =	seq.s32 s10, $0x1;
	s10 =	sld [smem:$0x3FBA]  }
0x3d: {  	_ =	shalt  }
0x3e: {  	_ =	shalt  }
0x3f: {  	_ =	shalt  }
0x40: {  	_ =	shalt  }
0x41: {  	_ =	shalt  }
0x42: {  	_ =	shalt  }
0x43: {  	_ =	shalt  }
0x44: {  	_ =	shalt  }
0x45: {  	_ =	shalt  }
0x46: {  	_ =	shalt  }
0x47: {  	_ =	shalt  }
0x48: {  	_ =	shalt  }
0x49: {  	_ =	shalt  }
0x4a: {  	_ =	shalt  }
0x4b: {  	_ =	shalt  }
0x4c: {  	_ =	shalt  }
0x4d: {  	_ =	shalt  }
0x4e: {  	_ =	shalt  }
0x4f: {  	_ =	shalt  }
0x50: {  	_ =	shalt  }
0x51: {  	_ =	shalt  }
0x52: {  	_ =	shalt  }
0x53: {  	_ =	shalt  }
0x54: {  	_ =	shalt  }
0x55: {  	_ =	shalt  }
0x56: {  	_ =	shalt  }
0x57: {  	_ =	shalt  }
0x58: {  	_ =	shalt  }
0x59: {  	_ =	shalt  }
0x5a: {  	_ =	shalt  }
0x5b: {  	_ =	shalt  }
0x5c: {  	_ =	shalt  }
0x5d: {  	_ =	shalt  }
0x5e: {  	_ =	shalt  }
0x5f: {  	_ =	shalt  }
0x60: {  	_ =	shalt  }
0x61: {  	_ =	shalt  }
0x62: {  	_ =	shalt  }
0x63: {  	_ =	shalt  }
0x64: {  	_ =	shalt  }
0x65: {  	_ =	shalt  }
0x66: {  	_ =	shalt  }
0x67: {  	_ =	shalt  }
0x68: {  	_ =	shalt  }
0x69: {  	_ =	shalt  }
0x6a: {  	_ =	shalt  }
0x6b: {  	_ =	shalt  }
0x6c: {  	_ =	shalt  }
0x6d: {  	_ =	shalt  }
0x6e: {  	_ =	shalt  }
0x6f: {  	_ =	shalt  }
0x70: {  	_ =	shalt  }
0x71: {  	_ =	shalt  }
0x72: {  	_ =	shalt  }
0x73: {  	_ =	shalt  }
0x74: {  	_ =	shalt  }
0x75: {  	_ =	shalt  }
0x76: {  	_ =	shalt  }
0x77: {  	_ =	shalt  }
0x78: {  	_ =	shalt  }
0x79: {  	_ =	shalt  }
0x7a: {  	_ =	shalt  }
0x7b: {  	_ =	shalt  }
0x7c: {  	_ =	shalt  }
0x7d: {  	_ =	shalt  }
0x7e: {  	_ =	shalt  }
0x7f: {  	_ =	shalt  }
0x80: {  	_ =	shalt  }
0x81: {  	_ =	shalt  }
0x82: {  	_ =	shalt  }
0x83: {  	_ =	shalt  }
0x84: {  	_ =	shalt  }
0x85: {  	_ =	shalt  }
0x86: {  	_ =	shalt  }
0x87: {  	_ =	shalt  }
.Lfunc_end0:
.L_simem_size_0:
called_computation_lowered:
.L_overlay_start_0:
0x88: {  	s2 =	sld [smem:$0x3FD9]  }
0x89: {  	s3 =	sld [smem:$0x3FFE];
	_ =	sdelay $0x1  }
0x8a: {  	s1 =	srdreg.scid  }
0x8b: {  	s0 =	sand.u32 $0x1, s1  }
0x8c: {  	s17 =	sshll.u32 s0, $0xA;
	s2 =	sadd.s32 s3, s2  }
0x8d: {  	s2 =	sadd.s32 s2, s17  }
0x8e: {  	[smem:$0x3FC6] =	sst s2  }
0x8f: {  	_ = 	snop  }
0x90: {  	s2 =	sld [smem:$0x3FC9]  }
0x91: {  	s18 =	sld [smem:$0x3FD0];
	(tm) =	ssettm $0x1  }
0x92: {  	s4 =	sld [smem:$0x3FFB];
	_ =	sdelay $0x3  }
0x93: {  	_ =	strace s4  }
0x94: {  	s4 =	sld [smem:$0x3FFC];
	_ =	sdelay $0x3  }
0x95: {  	_ =	strace s4  }
0x96: {  	s4 =	sld [smem:$0x3FFD];
	_ =	sdelay $0x3  }
0x97: {  	_ =	strace s4  }
0x98: {  	_ =	strace $0x8FFFFFFF  }
0x99: {  	s19 =	sld [smem:$0x3FDB];
	_ =	sdelay $0x1  }
0x9a: {  	s5 =	simm.s32 $_scs_section_size  }
0x9b: {  	s6 =	simm.s32 $_size__tile_overlayer_lowered;
	s7 =	simm.s32 $_tile_overlayer_lowered  }
0x9c: {  	s22 =	simm.s32 $0x1BFF;
	s21 =	sshll.u32 s7, $0x1;
	s4 =	sadd.s32 s5, s19  }
0x9d: {  	s8 =	simm.s32 $0x0;
	s20 =	sshll.u32 s6, $0x1;
	s6 =	sadd.s32 s21, s4  }
0x9e: {  	[timem:s8], [sflag:s22] =	dma.local [hbm:s6], s20  }
0x9f: {  	_ =	swait.ge [sflag:s22], s20  }
0xa0: {  	s5 =	ssub.s32 $0x0, s20;
	[sflag:s22] =	ssyncset.done $0x0  }
0xa1: {  	[sflag:s22] =	ssyncadd.s32 s5;
	_ =	sdelay $0x1  }
0xa2: {  	s23 =	simm.s32 $0x1B8B  }
0xa3: {  	_ =	swait.ge [sflag:s23], $0x1  }
0xa4: {  	[sflag:s23] =	ssyncset.done $0x0  }
0xa5: {  	s25 =	simm.s32 $0x1B8E;
	s24 =	sld [smem:$0x3FFE];
	[sflag:s23] =	ssyncadd.s32 $0xFFFFFFFF  }
0xa6: {  	s26 =	simm.s32 $execute0_lowered;
	[smem:$0x3FD2] =	sst s25  }
0xa7: {  	s6 =	sshll.u32 s26, $0x1;
	_ =	strace $0x80000046;
	[dreg:$0x1] =	wrdreg $0xFFFFFFFF  }
0xa8: {  	s28 =	simm.s32 $_size_execute0_lowered;
	s4 =	sadd.s32 s4, s6;
	[dreg:$0x0] =	wrdreg $0x0  }
0xa9: {  	s6 =	sshll.u32 s28, $0x1;
	[dreg:$0x2] =	wrdreg s4  }
0xaa: {  	[dreg:$0x3] =	wrdreg s6  }
0xab: {  	[dreg:$0x4] =	wrdreg $0xC0  }
0xac: {  	_ =	task [dreg:s8], $0x5FFFF  }
0xad: {  	[dreg:$0x1] =	wrdreg $0xFFFFFFFF  }
0xae: {  	[dreg:$0x0] =	wrdreg $0x60  }
0xaf: {  	[dreg:$0x2] =	wrdreg s2  }
0xb0: {  	[dreg:$0x3] =	wrdreg s24  }
0xb1: {  	[dreg:$0x4] =	wrdreg s18  }
0xb2: {  	[dreg:$0x5] =	wrdreg $0x9  }
0xb3: {  	_ =	task.clear_ibuf [dreg:s8], $0x6FFFF;
	_ =	strace $0x90000046  }
0xb4: {  	s29 =	simm.s32 $0x9;
	_ =	strace $0x80000048  }
0xb5: {  	_ =	swait.ge [sflag:s29], $0x1  }
0xb6: {  	[sflag:s29] =	ssyncadd.s32 $0xFFFFFFFF  }
0xb7: {  	_ =	strace $0x90000048  }
0xb8: {  	_ =	sfence  }
0xb9: {  	s30 =	sld [smem:$0x0];
	_ =	sdelay $0x2  }
0xba: {  	s31 =	sshll.u32 s1, $0xD;
	s1 =	sshrl.u32 s1, $0x2  }
0xbb: {  	s3 =	sand.u32 $0x4000, s31;
	s1 =	sadd.s32 s1, s30  }
0xbc: {  	s0 =	sor.u32 s3, s0;
	s1 =	sshll.u32 s1, $0x11  }
0xbd: {  	s0 =	sor.u32 s1, s0  }
0xbe: {  	s0 =	sadd.s32 $0x8F2B, s0  }
0xbf: {  	[sflag:s0] =	ssyncadd.remote.s32 $0x1  }
0xc0: {  	_ =	sfence.sel $0xFFFF  }
0xc1: {  	[dreg:$0x0] =	wrdreg $0xFFFFFFFF;
	(pc) =	sbr.abs _section_cstart, $3  }
0xc2: {  	[dreg:$0x1] =	wrdreg $0xFFFFFFFF  }
0xc3: {  	_ =	task.clear_ibuf [dreg:s8], $0x2FFFF;
	_ =	strace $0x9FFFFFFF  }
0xc4: {  	(tm) =	ssettm $0x7FFFFFFF  }
0xc5: {  	_ =	shalt  }
tec
execute0_lowered:
.L_overlay_start_1:
0x0: {  	(tag) =	ssettag $0x1  }
0x1: {  	s0 =	rddreg [dreg:$0x0]  }
0x2: {  	s1 =	rddreg [dreg:$0x1];
	s2 =	srdreg.scid  }
0x3: {  	s18 =	stileid.u32;
	s15 =	rddreg [dreg:$0x2]  }
0x4: {  	s28 =	simm.s32 $0xBB80;
	s29 =	simm.s32 $0xC800;
	s11 =	smul.u32 $0x1C0000, s18  }
0x5: {  	s14 =	sand.u32 $0x1, s2;
	s3 =	sshll.u32 s18, $0x1;
	s18 =	smul.u32 $0x38000, s18  }
0x6: {  	s30 =	simm.s32 $0xD480;
	s2 =	simm.s32 $0x0;
	s19 =	smul.u32 $0xE0000, s14  }
0x7: {  	s4 =	sor.u32 s14, s3;
	s17 =	ssub.s32 $0x2, s14;
	s14 =	smul.u32 $0x1C000, s14  }
0x8: {  	s31 =	simm.s32 $0x0;
	[smem:$0x7FF] =	sst s2;
	s5 =	smul.u32 $0xE0000, s4  }
0x9: {  	s3 =	sadd.s32 $0x400, s1;
	s6 =	sshrl.u32 s17, $0x1;
	s4 =	smul.u32 $0x320, s4  }
0xa: {  	_ =	strace $0x80000047;
	s25 =	sadd.s32 s18, s15;
	s1 =	ssub.s32 s17, s6  }
0xb: {  	s26 =	sadd.s32 s14, s25;
	s5 =	sshrl.u32 s5, $0x3;
	s4 =	sadd.s32 s0, s4  }
0xc: {  	s0 =	sadd.s32 s19, s11;
	s13 =	smax.u32 s1, $0x1;
	[dreg:$0x4] =	wrdreg s26  }
0xd: {  	s19 =	simm.s32 $0x190;
	s12 =	sadd.s32 s15, s5;
	s16 =	sor.u32 $0x8C00, s0  }
0xe: {  	s21 =	sor.u32 $0x7000, s0;
	s17 =	sor.u32 $0xC400, s0;
	s23 =	sor.u32 $0xA800, s0  }
0xf: {  	s24 =	sor.u32 $0x5400, s0;
	s0 =	sor.u32 $0x3800, s0;
	s5 =	sadd.s32 $0x1A400, s12  }
0x10: {  	s6 =	sadd.s32 $0x1A780, s12;
	s7 =	sadd.s32 $0x1AB00, s12;
	s8 =	sadd.s32 $0x1AE80, s12  }
0x11: {  	s9 =	sadd.s32 $0x1B200, s12;
	s10 =	sadd.s32 $0x1B580, s12;
	s11 =	sadd.s32 $0x1B900, s12  }
0x12: {  	s12 =	sadd.s32 $0x1BC80, s12;
	s20 =	sshrl.u32 s16, $0x3;
	s16 =	sshrl.u32 s21, $0x3  }
0x13: {  	s17 =	sshrl.u32 s17, $0x3;
	s0 =	sshrl.u32 s0, $0x3;
	s21 =	simm.s32 $0x40  }
0x14: {  	s1 =	sadd.s32 s20, s15;
	s22 =	sadd.s32 s16, s15;
	s0 =	sadd.s32 s0, s15  }
0x15: {  	s16 =	sshrl.u32 s23, $0x3;
	s14 =	sadd.s32 s17, s15;
	[dreg:$0x8] =	wrdreg s1  }
0x16: {  	s20 =	simm.s32 $0x1;
	[dreg:$0x7] =	wrdreg s22;
	s1 =	sshrl.u32 s24, $0x3  }
0x17: {  	[dreg:$0x5] =	wrdreg s0;
	s22 =	simm.s32 $0x80;
	s1 =	sadd.s32 s1, s15  }
0x18: {  	s15 =	sadd.s32 s16, s15;
	s16 =	simm.s32 $0x2;
	[dreg:$0x6] =	wrdreg s1  }
.LBB2_1:
0x19: {  	[tilespmem:s2], [sflag:$0x2] =	stream.linear.gather [hbm4b:s4+s2], $0x1900, $0x38;
	[tilespmem:$0xE100] =	vst v63  }
0x1a: {  	_ =	swait.ge [sflag:s16], $0x1900  }
0x1b: {  	[sflag:s16] =	ssyncset.done $0x0  }
0x1c: {  	s0 =	simm.s32 $0x1900;
	s24 =	sand.u32 $0x1, s20;
	[sflag:s16] =	ssyncadd.s32 $0xFFFFE700  }
0x1d: {  	[tilespmem:s0], [sflag:$0x1] =	stream.indirect.gather [hbm4b:s3+s19], $0x40, s2, s19, $0xb8;
	[tilespmem:$0xE100] =	vst v63  }
0x1e: {  	p0 =	seq.s32 s24, $0x1;
	s0 =	simm.s32 $0x7D00  }
0x1f: {  	s0 =	simm.s32 @!p0 $0x1900  }
0x20: {  	[tilespmem:s0], [sflag:$0x1] =	stream.indirect.gather [hbm4b:s3+s19], $0x40, s19, s19, $0xb8;
	[tilespmem:$0xE100] =	vst v63  }
0x21: {  	s17 =	simm.s32 $0x0;
	_ =	swait.ge [sflag:s20], $0x6400  }
0x22: {  	s17 =	simm.s32 @!p0 $0x6400;
	s25 =	rddreg [dreg:$0x4];
	[sflag:s20] =	ssyncset.done $0x0  }
0x23: {  	s1 =	sor.u32 $0x1900, s17;
	[sflag:s20] =	ssyncadd.s32 $0xFFFF9C00;
	s0 =	sadd.s32 $0x0, s25  }
0x24: {  	[hbm4b:s0+s21] =	stream.strided.scatter [tilespmem:s1], [sflag:$0x2], $0xC80, s22, s21, $0x38;
	[tilespmem:$0xE100] =	vst v63  }
0x25: {  	_ =	swait.ge [sflag:s16], $0xC80  }
0x26: {  	[sflag:s16] =	ssyncset.done $0x0  }
0x27: {  	s26 =	sadd.s32 $0x2580, s17;
	s0 =	sadd.s32 $0x380, s0;
	[sflag:s16] =	ssyncadd.s32 $0xFFFFF380  }
0x28: {  	[hbm4b:s0+s21] =	stream.strided.scatter [tilespmem:s26], [sflag:$0x2], $0xC80, s22, s21, $0x38;
	[tilespmem:$0xE100] =	vst v63  }
0x29: {  	_ =	swait.ge [sflag:s16], $0xC80  }
0x2a: {  	s1 =	rddreg [dreg:$0x5];
	[sflag:s16] =	ssyncset.done $0x0  }
0x2b: {  	s18 =	sadd.s32 $0x3200, s17;
	[sflag:s16] =	ssyncadd.s32 $0xFFFFF380;
	s0 =	sadd.s32 $0x0, s1  }
0x2c: {  	[hbm4b:s0+s21] =	stream.strided.scatter [tilespmem:s18], [sflag:$0x2], $0xC80, s22, s21, $0x38;
	[tilespmem:$0xE100] =	vst v63  }
0x2d: {  	_ =	swait.ge [sflag:s16], $0xC80  }
0x2e: {  	s23 =	rddreg [dreg:$0x6];
	[sflag:s16] =	ssyncset.done $0x0  }
0x2f: {  	s24 =	sadd.s32 $0x3E80, s17;
	[sflag:s16] =	ssyncadd.s32 $0xFFFFF380;
	s0 =	sadd.s32 $0x0, s23  }
0x30: {  	[hbm4b:s0+s21] =	stream.strided.scatter [tilespmem:s24], [sflag:$0x2], $0xC80, s22, s21, $0x38;
	[tilespmem:$0xE100] =	vst v63  }
0x31: {  	_ =	swait.ge [sflag:s16], $0xC80  }
0x32: {  	s25 =	rddreg [dreg:$0x7];
	[sflag:s16] =	ssyncset.done $0x0  }
0x33: {  	s26 =	sadd.s32 $0x4B00, s17;
	[sflag:s16] =	ssyncadd.s32 $0xFFFFF380;
	s0 =	sadd.s32 $0x0, s25  }
0x34: {  	[hbm4b:s0+s21] =	stream.strided.scatter [tilespmem:s26], [sflag:$0x2], $0xC80, s22, s21, $0x38;
	[tilespmem:$0xE100] =	vst v63  }
0x35: {  	_ =	swait.ge [sflag:s16], $0xC80  }
0x36: {  	s18 =	rddreg [dreg:$0x8];
	[sflag:s16] =	ssyncset.done $0x0  }
0x37: {  	s23 =	sadd.s32 $0x5780, s17;
	[sflag:s16] =	ssyncadd.s32 $0xFFFFF380;
	s0 =	sadd.s32 $0x0, s18  }
0x38: {  	[hbm4b:s0+s21] =	stream.strided.scatter [tilespmem:s23], [sflag:$0x2], $0xC80, s22, s21, $0x38;
	[tilespmem:$0xE100] =	vst v63  }
0x39: {  	_ =	swait.ge [sflag:s16], $0xC80  }
0x3a: {  	[sflag:s16] =	ssyncset.done $0x0  }
0x3b: {  	s24 =	sadd.s32 $0x0, s15;
	s25 =	sadd.s32 $0x6400, s17;
	[sflag:s16] =	ssyncadd.s32 $0xFFFFF380  }
0x3c: {  	[hbm4b:s24+s21] =	stream.strided.scatter [tilespmem:s25], [sflag:$0x2], $0xC80, s22, s21, $0x38;
	[tilespmem:$0xE100] =	vst v63  }
0x3d: {  	_ =	swait.ge [sflag:s16], $0xC80  }
0x3e: {  	s17 =	sadd.s32 $0x7080, s17;
	s0 =	simm.s32 $0x2;
	[sflag:s16] =	ssyncset.done $0x0  }
0x3f: {  	s18 =	sadd.s32 $0x0, s14;
	s26 =	sand.u32 $0x1, s0;
	[sflag:s16] =	ssyncadd.s32 $0xFFFFF380  }
0x40: {  	[hbm4b:s18+s21] =	stream.strided.scatter [tilespmem:s17], [sflag:$0x2], $0xC80, s22, s21, $0x38;
	[tilespmem:$0xE100] =	vst v63  }
0x41: {  	s1 =	simm.s32 $0x1C00;
	p1 =	seq.s32 s26, $0x1;
	_ =	swait.ge [sflag:s16], $0xC80  }
0x42: {  	s17 =	simm.s32 $0x3800;
	s18 =	simm.s32 $0x190;
	[sflag:s16] =	ssyncset.done $0x0  }
.LBB2_2:
0x43: {  	s24 =	simm.s32 $0x7D00  }
0x44: {  	[sflag:s16] =	ssyncadd.s32 $0xFFFFF380;
	s18 =	sadd.s32 $0x190, s18;
	s24 =	simm.s32 @!p1 $0x1900  }
0x45: {  	[tilespmem:s24], [sflag:$0x1] =	stream.indirect.gather [hbm4b:s3+s19], $0x40, s18, s19, $0xb8;
	[tilespmem:$0xE100] =	vst v63  }
0x46: {  	s24 =	simm.s32 $0x0;
	_ =	swait.ge [sflag:s20], $0x6400  }
0x47: {  	s24 =	simm.s32 @!p1 $0x6400;
	s25 =	rddreg [dreg:$0x4];
	[sflag:s20] =	ssyncset.done $0x0  }
0x48: {  	s26 =	sor.u32 $0x1900, s24;
	[sflag:s20] =	ssyncadd.s32 $0xFFFF9C00;
	s25 =	sadd.s32 s1, s25  }
0x49: {  	[hbm4b:s25+s21] =	stream.strided.scatter [tilespmem:s26], [sflag:$0x2], $0xC80, s22, s21, $0x38;
	[tilespmem:$0xE100] =	vst v63  }
0x4a: {  	_ =	swait.ge [sflag:s16], $0xC80  }
0x4b: {  	[sflag:s16] =	ssyncset.done $0x0  }
0x4c: {  	s25 =	sadd.s32 $0x380, s25;
	s26 =	sadd.s32 $0x2580, s24;
	[sflag:s16] =	ssyncadd.s32 $0xFFFFF380  }
0x4d: {  	[hbm4b:s25+s21] =	stream.strided.scatter [tilespmem:s26], [sflag:$0x2], $0xC80, s22, s21, $0x38;
	[tilespmem:$0xE100] =	vst v63  }
0x4e: {  	_ =	swait.ge [sflag:s16], $0xC80  }
0x4f: {  	s26 =	rddreg [dreg:$0x5];
	[sflag:s16] =	ssyncset.done $0x0  }
0x50: {  	[sflag:s16] =	ssyncadd.s32 $0xFFFFF380;
	s25 =	sadd.s32 s1, s26;
	s26 =	sadd.s32 $0x3200, s24  }
0x51: {  	[hbm4b:s25+s21] =	stream.strided.scatter [tilespmem:s26], [sflag:$0x2], $0xC80, s22, s21, $0x38;
	[tilespmem:$0xE100] =	vst v63  }
0x52: {  	_ =	swait.ge [sflag:s16], $0xC80  }
0x53: {  	s26 =	rddreg [dreg:$0x6];
	[sflag:s16] =	ssyncset.done $0x0  }
0x54: {  	[sflag:s16] =	ssyncadd.s32 $0xFFFFF380;
	s25 =	sadd.s32 s1, s26;
	s26 =	sadd.s32 $0x3E80, s24  }
0x55: {  	[hbm4b:s25+s21] =	stream.strided.scatter [tilespmem:s26], [sflag:$0x2], $0xC80, s22, s21, $0x38;
	[tilespmem:$0xE100] =	vst v63  }
0x56: {  	_ =	swait.ge [sflag:s16], $0xC80  }
0x57: {  	s26 =	rddreg [dreg:$0x7];
	[sflag:s16] =	ssyncset.done $0x0  }
0x58: {  	[sflag:s16] =	ssyncadd.s32 $0xFFFFF380;
	s25 =	sadd.s32 s1, s26;
	s26 =	sadd.s32 $0x4B00, s24  }
0x59: {  	[hbm4b:s25+s21] =	stream.strided.scatter [tilespmem:s26], [sflag:$0x2], $0xC80, s22, s21, $0x38;
	[tilespmem:$0xE100] =	vst v63  }
0x5a: {  	_ =	swait.ge [sflag:s16], $0xC80  }
0x5b: {  	s26 =	rddreg [dreg:$0x8];
	[sflag:s16] =	ssyncset.done $0x0  }
0x5c: {  	[sflag:s16] =	ssyncadd.s32 $0xFFFFF380;
	s25 =	sadd.s32 s1, s26;
	s26 =	sadd.s32 $0x5780, s24  }
0x5d: {  	[hbm4b:s25+s21] =	stream.strided.scatter [tilespmem:s26], [sflag:$0x2], $0xC80, s22, s21, $0x38;
	[tilespmem:$0xE100] =	vst v63  }
0x5e: {  	_ =	swait.ge [sflag:s16], $0xC80  }
0x5f: {  	[sflag:s16] =	ssyncset.done $0x0  }
0x60: {  	s25 =	sadd.s32 s1, s15;
	s26 =	sadd.s32 $0x6400, s24;
	[sflag:s16] =	ssyncadd.s32 $0xFFFFF380  }
0x61: {  	[hbm4b:s25+s21] =	stream.strided.scatter [tilespmem:s26], [sflag:$0x2], $0xC80, s22, s21, $0x38;
	[tilespmem:$0xE100] =	vst v63  }
0x62: {  	s23 =	smov.u32 s17;
	p0 =	sne.s32 s17, $0x18800;
	_ =	swait.ge [sflag:s16], $0xC80  }
.Ltmp0:
0x63: {  	s0 =	sadd.s32 $0x1, s0;
	[sflag:s16] =	ssyncset.done $0x0;
	(pc) =	sbr.rel @p0 .LBB2_2-.Ltmp0, $4  }
0x64: {  	s24 =	sadd.s32 $0x7080, s24;
	s25 =	sadd.s32 s1, s14;
	[sflag:s16] =	ssyncadd.s32 $0xFFFFF380  }
0x65: {  	[hbm4b:s25+s21] =	stream.strided.scatter [tilespmem:s24], [sflag:$0x2], $0xC80, s22, s21, $0x38;
	[tilespmem:$0xE100] =	vst v63  }
0x66: {  	s17 =	sadd.s32 $0x1C00, s17;
	s26 =	sand.u32 $0x1, s0;
	_ =	swait.ge [sflag:s16], $0xC80  }
0x67: {  	s1 =	smov.u32 s23;
	p1 =	seq.s32 s26, $0x1;
	[sflag:s16] =	ssyncset.done $0x0  }
0x68: {  	s0 =	simm.s32 $0x7D00  }
0x69: {  	[sflag:s16] =	ssyncadd.s32 $0xFFFFF380;
	s17 =	sadd.s32 $0x190, s18;
	s0 =	simm.s32 @!p1 $0x1900  }
0x6a: {  	[tilespmem:s0], [sflag:$0x1] =	stream.indirect.gather [hbm4b:s3+s19], $0x40, s17, s19, $0xb8;
	[tilespmem:$0xE100] =	vst v63  }
0x6b: {  	s17 =	simm.s32 $0x0;
	_ =	swait.ge [sflag:s20], $0x6400  }
0x6c: {  	s17 =	simm.s32 @!p1 $0x6400;
	s18 =	rddreg [dreg:$0x4];
	[sflag:s20] =	ssyncset.done $0x0  }
0x6d: {  	s23 =	sor.u32 $0x1900, s17;
	[sflag:s20] =	ssyncadd.s32 $0xFFFF9C00;
	s0 =	sadd.s32 s1, s18  }
0x6e: {  	[hbm4b:s0+s21] =	stream.strided.scatter [tilespmem:s23], [sflag:$0x2], $0xC80, s22, s21, $0x38;
	[tilespmem:$0xE100] =	vst v63  }
0x6f: {  	_ =	swait.ge [sflag:s16], $0xC80  }
0x70: {  	[sflag:s16] =	ssyncset.done $0x0  }
0x71: {  	s24 =	sadd.s32 $0x2580, s17;
	s0 =	sadd.s32 $0x380, s0;
	[sflag:s16] =	ssyncadd.s32 $0xFFFFF380  }
0x72: {  	[hbm4b:s0+s21] =	stream.strided.scatter [tilespmem:s24], [sflag:$0x2], $0xC80, s22, s21, $0x38;
	[tilespmem:$0xE100] =	vst v63  }
0x73: {  	_ =	swait.ge [sflag:s16], $0xC80  }
0x74: {  	s25 =	rddreg [dreg:$0x5];
	[sflag:s16] =	ssyncset.done $0x0  }
0x75: {  	s26 =	sadd.s32 $0x3200, s17;
	[sflag:s16] =	ssyncadd.s32 $0xFFFFF380;
	s0 =	sadd.s32 s1, s25  }
0x76: {  	[hbm4b:s0+s21] =	stream.strided.scatter [tilespmem:s26], [sflag:$0x2], $0xC80, s22, s21, $0x38;
	[tilespmem:$0xE100] =	vst v63  }
0x77: {  	_ =	swait.ge [sflag:s16], $0xC80  }
0x78: {  	s23 =	rddreg [dreg:$0x6];
	[sflag:s16] =	ssyncset.done $0x0  }
0x79: {  	s24 =	sadd.s32 $0x3E80, s17;
	[sflag:s16] =	ssyncadd.s32 $0xFFFFF380;
	s0 =	sadd.s32 s1, s23  }
0x7a: {  	[hbm4b:s0+s21] =	stream.strided.scatter [tilespmem:s24], [sflag:$0x2], $0xC80, s22, s21, $0x38;
	[tilespmem:$0xE100] =	vst v63  }
0x7b: {  	_ =	swait.ge [sflag:s16], $0xC80  }
0x7c: {  	s25 =	rddreg [dreg:$0x7];
	[sflag:s16] =	ssyncset.done $0x0  }
0x7d: {  	s26 =	sadd.s32 $0x4B00, s17;
	[sflag:s16] =	ssyncadd.s32 $0xFFFFF380;
	s0 =	sadd.s32 s1, s25  }
0x7e: {  	[hbm4b:s0+s21] =	stream.strided.scatter [tilespmem:s26], [sflag:$0x2], $0xC80, s22, s21, $0x38;
	[tilespmem:$0xE100] =	vst v63  }
0x7f: {  	_ =	swait.ge [sflag:s16], $0xC80  }
0x80: {  	s23 =	rddreg [dreg:$0x8];
	[sflag:s16] =	ssyncset.done $0x0  }
0x81: {  	s24 =	sadd.s32 $0x5780, s17;
	[sflag:s16] =	ssyncadd.s32 $0xFFFFF380;
	s0 =	sadd.s32 s1, s23  }
0x82: {  	[hbm4b:s0+s21] =	stream.strided.scatter [tilespmem:s24], [sflag:$0x2], $0xC80, s22, s21, $0x38;
	[tilespmem:$0xE100] =	vst v63  }
0x83: {  	_ =	swait.ge [sflag:s16], $0xC80  }
0x84: {  	[sflag:s16] =	ssyncset.done $0x0  }
0x85: {  	s25 =	sadd.s32 s1, s15;
	s26 =	sadd.s32 $0x6400, s17;
	[sflag:s16] =	ssyncadd.s32 $0xFFFFF380  }
0x86: {  	[hbm4b:s25+s21] =	stream.strided.scatter [tilespmem:s26], [sflag:$0x2], $0xC80, s22, s21, $0x38;
	[tilespmem:$0xE100] =	vst v63  }
0x87: {  	_ =	swait.ge [sflag:s16], $0xC80  }
0x88: {  	[sflag:s16] =	ssyncset.done $0x0  }
0x89: {  	s17 =	sadd.s32 $0x7080, s17;
	s1 =	sadd.s32 s1, s14;
	[sflag:s16] =	ssyncadd.s32 $0xFFFFF380  }
0x8a: {  	[hbm4b:s1+s21] =	stream.strided.scatter [tilespmem:s17], [sflag:$0x2], $0xC80, s22, s21, $0x38;
	[tilespmem:$0xE100] =	vst v63  }
0x8b: {  	_ =	swait.ge [sflag:s16], $0xC80  }
0x8c: {  	[sflag:s16] =	ssyncset.done $0x0  }
0x8d: {  	[sflag:s16] =	ssyncadd.s32 $0xFFFFF380  }
0x8e: {  	_ =	swait.ge [sflag:s20], $0x6400  }
0x8f: {  	[sflag:s20] =	ssyncset.done $0x0  }
0x90: {  	s18 =	simm.s32 $0x7D00;
	[sflag:s20] =	ssyncadd.s32 $0xFFFF9C00  }
0x91: {  	[hbm4b:s5+s21] =	stream.strided.scatter [tilespmem:s18], [sflag:$0x2], $0xC80, s22, s21, $0x38;
	[tilespmem:$0xE100] =	vst v63  }
0x92: {  	_ =	swait.ge [sflag:s16], $0xC80  }
0x93: {  	[sflag:s16] =	ssyncset.done $0x0  }
0x94: {  	s23 =	simm.s32 $0x8980;
	[sflag:s16] =	ssyncadd.s32 $0xFFFFF380  }
0x95: {  	[hbm4b:s6+s21] =	stream.strided.scatter [tilespmem:s23], [sflag:$0x2], $0xC80, s22, s21, $0x38;
	[tilespmem:$0xE100] =	vst v63  }
0x96: {  	_ =	swait.ge [sflag:s16], $0xC80  }
0x97: {  	[sflag:s16] =	ssyncset.done $0x0  }
0x98: {  	s24 =	simm.s32 $0x9600;
	[sflag:s16] =	ssyncadd.s32 $0xFFFFF380  }
0x99: {  	[hbm4b:s7+s21] =	stream.strided.scatter [tilespmem:s24], [sflag:$0x2], $0xC80, s22, s21, $0x38;
	[tilespmem:$0xE100] =	vst v63  }
0x9a: {  	_ =	swait.ge [sflag:s16], $0xC80  }
0x9b: {  	[sflag:s16] =	ssyncset.done $0x0  }
0x9c: {  	s25 =	simm.s32 $0xA280;
	[sflag:s16] =	ssyncadd.s32 $0xFFFFF380  }
0x9d: {  	[hbm4b:s8+s21] =	stream.strided.scatter [tilespmem:s25], [sflag:$0x2], $0xC80, s22, s21, $0x38;
	[tilespmem:$0xE100] =	vst v63  }
0x9e: {  	_ =	swait.ge [sflag:s16], $0xC80  }
0x9f: {  	[sflag:s16] =	ssyncset.done $0x0  }
0xa0: {  	s26 =	simm.s32 $0xAF00;
	[sflag:s16] =	ssyncadd.s32 $0xFFFFF380  }
0xa1: {  	[hbm4b:s9+s21] =	stream.strided.scatter [tilespmem:s26], [sflag:$0x2], $0xC80, s22, s21, $0x38;
	[tilespmem:$0xE100] =	vst v63  }
0xa2: {  	_ =	swait.ge [sflag:s16], $0xC80  }
0xa3: {  	[sflag:s16] =	ssyncset.done $0x0  }
0xa4: {  	[sflag:s16] =	ssyncadd.s32 $0xFFFFF380  }
0xa5: {  	[hbm4b:s10+s21] =	stream.strided.scatter [tilespmem:s28], [sflag:$0x2], $0xC80, s22, s21, $0x38;
	[tilespmem:$0xE100] =	vst v63  }
0xa6: {  	_ =	swait.ge [sflag:s16], $0xC80  }
0xa7: {  	[sflag:s16] =	ssyncset.done $0x0  }
0xa8: {  	[sflag:s16] =	ssyncadd.s32 $0xFFFFF380  }
0xa9: {  	[hbm4b:s11+s21] =	stream.strided.scatter [tilespmem:s29], [sflag:$0x2], $0xC80, s22, s21, $0x38;
	[tilespmem:$0xE100] =	vst v63  }
0xaa: {  	s31 =	sadd.s32 $0x1, s31;
	_ =	swait.ge [sflag:s16], $0xC80  }
0xab: {  	p0 =	sne.s32 s31, s13;
	[sflag:s16] =	ssyncset.done $0x0  }
.Ltmp1:
0xac: {  	[sflag:s16] =	ssyncadd.s32 $0xFFFFF380;
	(pc) =	sbr.rel @p0 .LBB2_1-.Ltmp1, $4  }
0xad: {  	[hbm4b:s12+s21] =	stream.strided.scatter [tilespmem:s30], [sflag:$0x2], $0xC80, s22, s21, $0x38;
	[tilespmem:$0xE100] =	vst v63  }
0xae: {  	_ =	swait.ge [sflag:s16], $0xC80  }
0xaf: {  	[sflag:s16] =	ssyncset.done $0x0  }
0xb0: {  	[sflag:s16] =	ssyncadd.s32 $0xFFFFF380  }
0xb1: {  	_ =	sfence.sel $0x180000  }
0xb2: {  	[bflag:$0x0] =	sbarrier.arrive $0xFFFF  }
0xb3: {  	_ =	strace $0x90000047  }
0xb4: {  	s0 =	stileid.u32;
	[bflag:$0x2] =	sbarrier.arrive $0xFFFF  }
0xb5: {  	p0 =	sne.s32 s0, $0x0;
	s0 =	rddreg [dreg:$0x3]  }
0xb6: {  	s0 =	sadd.s32 @!p0 $0x100000, s0  }
0xb7: {  	[sflag:s0] =	ssyncadd.tile.s32 @!p0 $0x1;
	_ =	shalt  }
.Lfunc_end2:
_tile_overlayer_lowered:
.L_overlay_start_2:
0xb8: {  	(tag) =	ssettag $0x2  }
0xb9: {  	s0 =	rddreg [dreg:$0x0];
	s2 =	stileid.u32  }
0xba: {  	s1 =	rddreg [dreg:$0x1];
	p0 =	sne.s32 s2, $0x0  }
0xbb: {  	s3 =	rddreg [dreg:$0x2];
	[bflag:$0x3] =	sbarrier.arrive $0xFFFF;
	s2 =	simm.s32 @!p0 $0x1C02  }
0xbc: {  	[timem:s3], [sflag:s2] =	dma.local @!p0 [hbm:s0], s1  }
0xbd: {  	s0 =	simm.s32 @!p0 $0x2  }
0xbe: {  	_ =	swait.ge @!p0 [sflag:s0], s1  }
0xbf: {  	s1 =	ssub.s32 @!p0 $0x0, s1;
	[sflag:s0] =	ssyncset.done @!p0 $0x0  }
0xc0: {  	[sflag:s0] =	ssyncadd.s32 @!p0 s1  }
0xc1: {  	[bflag:$0x3] =	sbarrier.arrive $0xFFFF  }
0xc2: {  	_ =	shalt  }

</sc_bundles>
